<compile_context>
chip_gen: v7x
topology: tpu7x:2x2x1
jax: 0.10.2.dev20260603
libtpu: 0.0.44.dev20260713+nightly
codegen_flags: <defaults>
</compile_context>

<pallas_src>
import functools

import jax
import jax.numpy as jnp
from jax import lax
from jax.experimental import pallas as pl
from jax.experimental.pallas import tpu as pltpu
from jax.experimental.pallas import tpu_sc as plsc

NC = 2
NS = 16
NW = NC * NS

IDX_W = 128
ROWS_PER_CHUNK = 1
NBUF = 4


@functools.partial(jax.jit, static_argnames=("n_rows", "dim"))
def _sc_gather(tok, table, *, n_rows, dim):
    chunk = ROWS_PER_CHUNK * IDX_W
    rows_per_w = n_rows // NW
    chunks_per_w = rows_per_w // ROWS_PER_CHUNK
    steady = chunks_per_w - NBUF
    assert steady % NBUF == 0
    pad_dim = table.shape[-1]

    @functools.partial(
        pl.kernel,
        mesh=plsc.VectorSubcoreMesh(core_axis_name="c", subcore_axis_name="s"),
        out_type=jax.ShapeDtypeStruct((n_rows * IDX_W, pad_dim), jnp.float32),
        scratch_types=[
            pltpu.VMEM((rows_per_w, IDX_W), jnp.int32),
            pltpu.VMEM((NBUF, chunk, pad_dim), jnp.float32),
            [pltpu.SemaphoreType.DMA] * NBUF,
        ],
    )
    def k(tok_hbm, table_hbm, out_hbm, idx_all, rb, gsems):
        wid = lax.axis_index("s") * NC + lax.axis_index("c")
        w_row0 = wid * rows_per_w

        pltpu.sync_copy(tok_hbm.at[pl.ds(w_row0, rows_per_w)], idx_all)

        def fire(g, b):
            for j in range(ROWS_PER_CHUNK):
                pltpu.async_copy(
                    table_hbm.at[idx_all.at[g * ROWS_PER_CHUNK + j]],
                    rb.at[b].at[pl.ds(j * IDX_W, IDX_W)],
                    gsems[b],
                )

        def drain_store(g, b):
            for j in range(ROWS_PER_CHUNK):
                pltpu.make_async_copy(
                    table_hbm.at[idx_all.at[g * ROWS_PER_CHUNK + j]],
                    rb.at[b].at[pl.ds(j * IDX_W, IDX_W)],
                    gsems[b],
                ).wait()
            out0 = (w_row0 + g * ROWS_PER_CHUNK) * IDX_W
            pltpu.sync_copy(rb.at[b], out_hbm.at[pl.ds(out0, chunk)])

        for b in range(NBUF):
            fire(b, b)

        def body(o, carry):
            for b in range(NBUF):
                g = o * NBUF + b
                drain_store(g, b)
                fire(g + NBUF, b)
            return carry

        lax.fori_loop(0, steady // NBUF, body, 0)

        for b in range(NBUF):
            drain_store(steady + b, b)

    return k(tok, table)


def kernel(token_ids, embedding):
    b, s = token_ids.shape
    v, dim = embedding.shape
    tok = token_ids.reshape(-1, IDX_W).astype(jnp.int32)
    t_pad = jnp.pad(embedding, ((0, 0), (0, 128 - dim)))
    out = _sc_gather(tok, t_pad, n_rows=tok.shape[0], dim=dim)
    return out[:, :dim].reshape(b, s, dim)

# --- scband reference (transcript-rebuilt; emitter-appended) ---
"""Pipeline reference for scband-embedding-54640573939961 (READ-ONLY COPY).

The authoritative reference and input builder live on the scoring server;
editing this copy changes nothing except your own understanding.
"""

import jax, jax.numpy as jnp
import numpy as np

NUM_EMBEDDINGS = 1000000
EMBEDDING_DIM = 64


def setup_inputs(seed: int = 0) -> dict:
    key = jax.random.key(seed)
    k1, k2 = jax.random.split(key)
    token_ids = jax.random.randint(k1, (4096, 200), 0, NUM_EMBEDDINGS, dtype=jnp.int64 if jax.config.jax_enable_x64 else jnp.int32)
    # trunc_normal(mean=0, std=1, a=-3, b=3) approximated via clipped normal
    embedding = jnp.clip(jax.random.normal(k2, (NUM_EMBEDDINGS, EMBEDDING_DIM), dtype=jnp.float32), -3.0, 3.0)
    return {"token_ids": token_ids, "embedding": embedding}


def reference(token_ids, embedding):
    # self.embedding[token_ids] -> gather rows of the table
    return jnp.take(embedding, token_ids, axis=0)

if __name__ == "__main__":
    import jax
    _d = setup_inputs()
    print(jax.jit(kernel)(*tuple(_d.values())))

</pallas_src>

<mosaic_0001>
#map = affine_map<(d0, d1) -> (0, 0)>
module attributes {stable_mosaic.version = 14 : i64} {
  func.func @k(%arg0: i32, %arg1: i32, %arg2: memref<6400x128xi32, #tpu.memory_space<hbm>>, %arg3: memref<1000000x128xf32, #tpu.memory_space<hbm>>, %arg4: memref<819200x128xf32, #tpu.memory_space<hbm>>, %arg5: memref<200x128xi32, #tpu.memory_space<vmem>>, %arg6: memref<4x128x128xf32, #tpu.memory_space<vmem>>, %arg7: memref<!tpu.dma_semaphore, #tpu.memory_space<semaphore_mem>>, %arg8: memref<!tpu.dma_semaphore, #tpu.memory_space<semaphore_mem>>, %arg9: memref<!tpu.dma_semaphore, #tpu.memory_space<semaphore_mem>>, %arg10: memref<!tpu.dma_semaphore, #tpu.memory_space<semaphore_mem>>) attributes {dimension_semantics = [#tpu.dimension_semantics<core_parallel>, #tpu.dimension_semantics<subcore_parallel>], iteration_bounds = array<i64: 2, 16>, scalar_prefetch = 0 : i64, scratch_operands = 6 : i64, tpu.core_type = #tpu.core_type<sc_vector_subcore>, window_params = [{transform_indices = #map}, {transform_indices = #map}, {transform_indices = #map}]} {
    %mul3A = arith.constant 2 : i32
    %mul3A_0 = arith.muli %arg1, %mul3A : i32
    %add3A = arith.addi %mul3A_0, %arg0 : i32
    %mul3A_1 = arith.constant 200 : i32
    %mul3A_2 = arith.muli %add3A, %mul3A_1 : i32
    "tpu.region"() ({
      %run_scoped3A_145 = tpu.sem_alloc : memref<!tpu.dma_semaphore, #tpu.memory_space<semaphore_mem>>
      %dma_start3A_146 = arith.constant 0 : i32
      %dma_start3A_147 = tpu.memref_slice %arg2[%mul3A_2, %dma_start3A_146] : memref<6400x128xi32, #tpu.memory_space<hbm>> -> memref<200x128xi32, #tpu.memory_space<hbm>>
      %dma_start3A_148 = arith.constant 0 : i32
      %dma_start3A_149 = tpu.memref_slice %arg2[%mul3A_2, %dma_start3A_148] : memref<6400x128xi32, #tpu.memory_space<hbm>> -> memref<200x128xi32, #tpu.memory_space<hbm>>
      tpu.enqueue_dma source(%dma_start3A_149 : memref<200x128xi32, #tpu.memory_space<hbm>>) target(%arg5 : memref<200x128xi32, #tpu.memory_space<vmem>>) target_semaphore(%run_scoped3A_145 : memref<!tpu.dma_semaphore, #tpu.memory_space<semaphore_mem>>)
      %dma_wait3A_150 = arith.constant 0 : i32
      %dma_wait3A_151 = tpu.memref_slice %arg2[%mul3A_2, %dma_wait3A_150] : memref<6400x128xi32, #tpu.memory_space<hbm>> -> memref<200x128xi32, #tpu.memory_space<hbm>>
      %dma_wait3A_152 = arith.constant 0 : i32
      %dma_wait3A_153 = tpu.memref_slice %arg2[%mul3A_2, %dma_wait3A_152] : memref<6400x128xi32, #tpu.memory_space<hbm>> -> memref<200x128xi32, #tpu.memory_space<hbm>>
      tpu.wait_dma2 semaphore(%run_scoped3A_145 : memref<!tpu.dma_semaphore, #tpu.memory_space<semaphore_mem>>) src(%dma_wait3A_153 : memref<200x128xi32, #tpu.memory_space<hbm>>) dst(%arg5 : memref<200x128xi32, #tpu.memory_space<vmem>>)
      tpu.yield
    }) : () -> ()
    %dma_start3A = arith.constant 0 : i32
    %dma_start3A_3 = arith.constant 0 : i32
    %dma_start3A_4 = arith.constant 0 : i32
    %dma_start3A_5 = arith.constant 0 : i32
    %dma_start3A_6 = tpu.memref_slice %arg6[%dma_start3A_3, %dma_start3A_4, %dma_start3A_5] : memref<4x128x128xf32, #tpu.memory_space<vmem>> -> memref<1x128x128xf32, #tpu.memory_space<vmem>>
    %dma_start3A_7 = tpu.memref_squeeze %dma_start3A_6 : memref<1x128x128xf32, #tpu.memory_space<vmem>> -> memref<128x128xf32, #tpu.memory_space<vmem>>
    %dma_start3A_8 = arith.constant 0 : i32
    %dma_start3A_9 = arith.constant 0 : i32
    %dma_start3A_10 = tpu.memref_slice %dma_start3A_7[%dma_start3A_8, %dma_start3A_9] : memref<128x128xf32, #tpu.memory_space<vmem>> -> memref<128x128xf32, #tpu.memory_space<vmem>>
    %dma_start3A_11 = arith.constant 0 : i32
    %dma_start3A_12 = tpu.memref_slice %arg5[%dma_start3A, %dma_start3A_11] : memref<200x128xi32, #tpu.memory_space<vmem>> -> memref<1x128xi32, #tpu.memory_space<vmem>>
    %dma_start3A_13 = tpu.memref_squeeze %dma_start3A_12 : memref<1x128xi32, #tpu.memory_space<vmem>> -> memref<128xi32, #tpu.memory_space<vmem>>
    %dma_start3A_14 = arith.constant 0 : i32
    %dma_start3A_15 = arith.constant 0 : i32
    %dma_start3A_16 = tpu.memref_slice %arg3[%dma_start3A_14, %dma_start3A_15] : memref<1000000x128xf32, #tpu.memory_space<hbm>> -> memref<1000000x128xf32, #tpu.memory_space<hbm>>
    tpu.enqueue_indirect_dma source(%dma_start3A_16 : memref<1000000x128xf32, #tpu.memory_space<hbm>>) target(%dma_start3A_10 : memref<128x128xf32, #tpu.memory_space<vmem>>) offsets(%dma_start3A_13 : memref<128xi32, #tpu.memory_space<vmem>>) semaphore(%arg7 : memref<!tpu.dma_semaphore, #tpu.memory_space<semaphore_mem>>)
    %dma_start3A_17 = arith.constant 1 : i32
    %dma_start3A_18 = arith.constant 1 : i32
    %dma_start3A_19 = arith.constant 0 : i32
    %dma_start3A_20 = arith.constant 0 : i32
    %dma_start3A_21 = tpu.memref_slice %arg6[%dma_start3A_18, %dma_start3A_19, %dma_start3A_20] : memref<4x128x128xf32, #tpu.memory_space<vmem>> -> memref<1x128x128xf32, #tpu.memory_space<vmem>>
    %dma_start3A_22 = tpu.memref_squeeze %dma_start3A_21 : memref<1x128x128xf32, #tpu.memory_space<vmem>> -> memref<128x128xf32, #tpu.memory_space<vmem>>
    %dma_start3A_23 = arith.constant 0 : i32
    %dma_start3A_24 = arith.constant 0 : i32
    %dma_start3A_25 = tpu.memref_slice %dma_start3A_22[%dma_start3A_23, %dma_start3A_24] : memref<128x128xf32, #tpu.memory_space<vmem>> -> memref<128x128xf32, #tpu.memory_space<vmem>>
    %dma_start3A_26 = arith.constant 0 : i32
    %dma_start3A_27 = tpu.memref_slice %arg5[%dma_start3A_17, %dma_start3A_26] : memref<200x128xi32, #tpu.memory_space<vmem>> -> memref<1x128xi32, #tpu.memory_space<vmem>>
    %dma_start3A_28 = tpu.memref_squeeze %dma_start3A_27 : memref<1x128xi32, #tpu.memory_space<vmem>> -> memref<128xi32, #tpu.memory_space<vmem>>
    %dma_start3A_29 = arith.constant 0 : i32
    %dma_start3A_30 = arith.constant 0 : i32
    %dma_start3A_31 = tpu.memref_slice %arg3[%dma_start3A_29, %dma_start3A_30] : memref<1000000x128xf32, #tpu.memory_space<hbm>> -> memref<1000000x128xf32, #tpu.memory_space<hbm>>
    tpu.enqueue_indirect_dma source(%dma_start3A_31 : memref<1000000x128xf32, #tpu.memory_space<hbm>>) target(%dma_start3A_25 : memref<128x128xf32, #tpu.memory_space<vmem>>) offsets(%dma_start3A_28 : memref<128xi32, #tpu.memory_space<vmem>>) semaphore(%arg8 : memref<!tpu.dma_semaphore, #tpu.memory_space<semaphore_mem>>)
    %dma_start3A_32 = arith.constant 2 : i32
    %dma_start3A_33 = arith.constant 2 : i32
    %dma_start3A_34 = arith.constant 0 : i32
    %dma_start3A_35 = arith.constant 0 : i32
    %dma_start3A_36 = tpu.memref_slice %arg6[%dma_start3A_33, %dma_start3A_34, %dma_start3A_35] : memref<4x128x128xf32, #tpu.memory_space<vmem>> -> memref<1x128x128xf32, #tpu.memory_space<vmem>>
    %dma_start3A_37 = tpu.memref_squeeze %dma_start3A_36 : memref<1x128x128xf32, #tpu.memory_space<vmem>> -> memref<128x128xf32, #tpu.memory_space<vmem>>
    %dma_start3A_38 = arith.constant 0 : i32
    %dma_start3A_39 = arith.constant 0 : i32
    %dma_start3A_40 = tpu.memref_slice %dma_start3A_37[%dma_start3A_38, %dma_start3A_39] : memref<128x128xf32, #tpu.memory_space<vmem>> -> memref<128x128xf32, #tpu.memory_space<vmem>>
    %dma_start3A_41 = arith.constant 0 : i32
    %dma_start3A_42 = tpu.memref_slice %arg5[%dma_start3A_32, %dma_start3A_41] : memref<200x128xi32, #tpu.memory_space<vmem>> -> memref<1x128xi32, #tpu.memory_space<vmem>>
    %dma_start3A_43 = tpu.memref_squeeze %dma_start3A_42 : memref<1x128xi32, #tpu.memory_space<vmem>> -> memref<128xi32, #tpu.memory_space<vmem>>
    %dma_start3A_44 = arith.constant 0 : i32
    %dma_start3A_45 = arith.constant 0 : i32
    %dma_start3A_46 = tpu.memref_slice %arg3[%dma_start3A_44, %dma_start3A_45] : memref<1000000x128xf32, #tpu.memory_space<hbm>> -> memref<1000000x128xf32, #tpu.memory_space<hbm>>
    tpu.enqueue_indirect_dma source(%dma_start3A_46 : memref<1000000x128xf32, #tpu.memory_space<hbm>>) target(%dma_start3A_40 : memref<128x128xf32, #tpu.memory_space<vmem>>) offsets(%dma_start3A_43 : memref<128xi32, #tpu.memory_space<vmem>>) semaphore(%arg9 : memref<!tpu.dma_semaphore, #tpu.memory_space<semaphore_mem>>)
    %dma_start3A_47 = arith.constant 3 : i32
    %dma_start3A_48 = arith.constant 3 : i32
    %dma_start3A_49 = arith.constant 0 : i32
    %dma_start3A_50 = arith.constant 0 : i32
    %dma_start3A_51 = tpu.memref_slice %arg6[%dma_start3A_48, %dma_start3A_49, %dma_start3A_50] : memref<4x128x128xf32, #tpu.memory_space<vmem>> -> memref<1x128x128xf32, #tpu.memory_space<vmem>>
    %dma_start3A_52 = tpu.memref_squeeze %dma_start3A_51 : memref<1x128x128xf32, #tpu.memory_space<vmem>> -> memref<128x128xf32, #tpu.memory_space<vmem>>
    %dma_start3A_53 = arith.constant 0 : i32
    %dma_start3A_54 = arith.constant 0 : i32
    %dma_start3A_55 = tpu.memref_slice %dma_start3A_52[%dma_start3A_53, %dma_start3A_54] : memref<128x128xf32, #tpu.memory_space<vmem>> -> memref<128x128xf32, #tpu.memory_space<vmem>>
    %dma_start3A_56 = arith.constant 0 : i32
    %dma_start3A_57 = tpu.memref_slice %arg5[%dma_start3A_47, %dma_start3A_56] : memref<200x128xi32, #tpu.memory_space<vmem>> -> memref<1x128xi32, #tpu.memory_space<vmem>>
    %dma_start3A_58 = tpu.memref_squeeze %dma_start3A_57 : memref<1x128xi32, #tpu.memory_space<vmem>> -> memref<128xi32, #tpu.memory_space<vmem>>
    %dma_start3A_59 = arith.constant 0 : i32
    %dma_start3A_60 = arith.constant 0 : i32
    %dma_start3A_61 = tpu.memref_slice %arg3[%dma_start3A_59, %dma_start3A_60] : memref<1000000x128xf32, #tpu.memory_space<hbm>> -> memref<1000000x128xf32, #tpu.memory_space<hbm>>
    tpu.enqueue_indirect_dma source(%dma_start3A_61 : memref<1000000x128xf32, #tpu.memory_space<hbm>>) target(%dma_start3A_55 : memref<128x128xf32, #tpu.memory_space<vmem>>) offsets(%dma_start3A_58 : memref<128xi32, #tpu.memory_space<vmem>>) semaphore(%arg10 : memref<!tpu.dma_semaphore, #tpu.memory_space<semaphore_mem>>)
    %scan3A = arith.constant 0 : i32
    %scan3A_62 = arith.constant 0 : i32
    %scan3A_63 = arith.constant 49 : i32
    %scan3A_64 = arith.addi %scan3A_62, %scan3A_63 : i32
    %scan3A_65 = arith.constant 1 : i32
    scf.for %scan3A_145 = %scan3A_62 to %scan3A_64 step %scan3A_65  : i32 {
      %mul3A_146 = arith.constant 4 : i32
      %mul3A_147 = arith.muli %scan3A_145, %mul3A_146 : i32
      %add3A_148 = arith.constant 0 : i32
      %add3A_149 = arith.addi %mul3A_147, %add3A_148 : i32
      %mul3A_150 = arith.constant 1 : i32
      %mul3A_151 = arith.muli %add3A_149, %mul3A_150 : i32
      %add3A_152 = arith.constant 0 : i32
      %add3A_153 = arith.addi %mul3A_151, %add3A_152 : i32
      %dma_wait3A_154 = arith.constant 0 : i32
      %dma_wait3A_155 = arith.constant 0 : i32
      %dma_wait3A_156 = arith.constant 0 : i32
      %dma_wait3A_157 = tpu.memref_slice %arg6[%dma_wait3A_154, %dma_wait3A_155, %dma_wait3A_156] : memref<4x128x128xf32, #tpu.memory_space<vmem>> -> memref<1x128x128xf32, #tpu.memory_space<vmem>>
      %dma_wait3A_158 = tpu.memref_squeeze %dma_wait3A_157 : memref<1x128x128xf32, #tpu.memory_space<vmem>> -> memref<128x128xf32, #tpu.memory_space<vmem>>
      %dma_wait3A_159 = arith.constant 0 : i32
      %dma_wait3A_160 = arith.constant 0 : i32
      %dma_wait3A_161 = tpu.memref_slice %dma_wait3A_158[%dma_wait3A_159, %dma_wait3A_160] : memref<128x128xf32, #tpu.memory_space<vmem>> -> memref<128x128xf32, #tpu.memory_space<vmem>>
      %dma_wait3A_162 = arith.constant 0 : i32
      %dma_wait3A_163 = tpu.memref_slice %arg5[%add3A_153, %dma_wait3A_162] : memref<200x128xi32, #tpu.memory_space<vmem>> -> memref<1x128xi32, #tpu.memory_space<vmem>>
      %dma_wait3A_164 = tpu.memref_squeeze %dma_wait3A_163 : memref<1x128xi32, #tpu.memory_space<vmem>> -> memref<128xi32, #tpu.memory_space<vmem>>
      %dma_wait3A_165 = arith.constant 0 : i32
      %dma_wait3A_166 = arith.constant 0 : i32
      %dma_wait3A_167 = tpu.memref_slice %arg3[%dma_wait3A_165, %dma_wait3A_166] : memref<1000000x128xf32, #tpu.memory_space<hbm>> -> memref<1000000x128xf32, #tpu.memory_space<hbm>>
      tpu.wait_indirect_dma semaphore(%arg7 : memref<!tpu.dma_semaphore, #tpu.memory_space<semaphore_mem>>) src(%dma_wait3A_167 : memref<1000000x128xf32, #tpu.memory_space<hbm>>) dst(%dma_wait3A_161 : memref<128x128xf32, #tpu.memory_space<vmem>>)
      %mul3A_168 = arith.constant 1 : i32
      %mul3A_169 = arith.muli %add3A_149, %mul3A_168 : i32
      %add3A_170 = arith.addi %mul3A_2, %mul3A_169 : i32
      %mul3A_171 = arith.constant 128 : i32
      %mul3A_172 = arith.muli %add3A_170, %mul3A_171 : i32
      %run_scoped3A_173 = arith.constant 0 : i32
      "tpu.region"() ({
        %run_scoped3A_338 = tpu.sem_alloc : memref<!tpu.dma_semaphore, #tpu.memory_space<semaphore_mem>>
        %dma_start3A_339 = arith.constant 0 : i32
        %dma_start3A_340 = arith.constant 0 : i32
        %dma_start3A_341 = tpu.memref_slice %arg6[%run_scoped3A_173, %dma_start3A_339, %dma_start3A_340] : memref<4x128x128xf32, #tpu.memory_space<vmem>> -> memref<1x128x128xf32, #tpu.memory_space<vmem>>
        %dma_start3A_342 = tpu.memref_squeeze %dma_start3A_341 : memref<1x128x128xf32, #tpu.memory_space<vmem>> -> memref<128x128xf32, #tpu.memory_space<vmem>>
        %dma_start3A_343 = arith.constant 0 : i32
        %dma_start3A_344 = tpu.memref_slice %arg4[%mul3A_172, %dma_start3A_343] : memref<819200x128xf32, #tpu.memory_space<hbm>> -> memref<128x128xf32, #tpu.memory_space<hbm>>
        %dma_start3A_345 = arith.constant 0 : i32
        %dma_start3A_346 = tpu.memref_slice %arg4[%mul3A_172, %dma_start3A_345] : memref<819200x128xf32, #tpu.memory_space<hbm>> -> memref<128x128xf32, #tpu.memory_space<hbm>>
        %dma_start3A_347 = arith.constant 0 : i32
        %dma_start3A_348 = arith.constant 0 : i32
        %dma_start3A_349 = tpu.memref_slice %arg6[%run_scoped3A_173, %dma_start3A_347, %dma_start3A_348] : memref<4x128x128xf32, #tpu.memory_space<vmem>> -> memref<1x128x128xf32, #tpu.memory_space<vmem>>
        %dma_start3A_350 = tpu.memref_squeeze %dma_start3A_349 : memref<1x128x128xf32, #tpu.memory_space<vmem>> -> memref<128x128xf32, #tpu.memory_space<vmem>>
        tpu.enqueue_dma source(%dma_start3A_350 : memref<128x128xf32, #tpu.memory_space<vmem>>) target(%dma_start3A_346 : memref<128x128xf32, #tpu.memory_space<hbm>>) target_semaphore(%run_scoped3A_338 : memref<!tpu.dma_semaphore, #tpu.memory_space<semaphore_mem>>)
        %dma_wait3A_351 = arith.constant 0 : i32
        %dma_wait3A_352 = arith.constant 0 : i32
        %dma_wait3A_353 = tpu.memref_slice %arg6[%run_scoped3A_173, %dma_wait3A_351, %dma_wait3A_352] : memref<4x128x128xf32, #tpu.memory_space<vmem>> -> memref<1x128x128xf32, #tpu.memory_space<vmem>>
        %dma_wait3A_354 = tpu.memref_squeeze %dma_wait3A_353 : memref<1x128x128xf32, #tpu.memory_space<vmem>> -> memref<128x128xf32, #tpu.memory_space<vmem>>
        %dma_wait3A_355 = arith.constant 0 : i32
        %dma_wait3A_356 = tpu.memref_slice %arg4[%mul3A_172, %dma_wait3A_355] : memref<819200x128xf32, #tpu.memory_space<hbm>> -> memref<128x128xf32, #tpu.memory_space<hbm>>
        %dma_wait3A_357 = arith.constant 0 : i32
        %dma_wait3A_358 = tpu.memref_slice %arg4[%mul3A_172, %dma_wait3A_357] : memref<819200x128xf32, #tpu.memory_space<hbm>> -> memref<128x128xf32, #tpu.memory_space<hbm>>
        %dma_wait3A_359 = arith.constant 0 : i32
        %dma_wait3A_360 = arith.constant 0 : i32
        %dma_wait3A_361 = tpu.memref_slice %arg6[%run_scoped3A_173, %dma_wait3A_359, %dma_wait3A_360] : memref<4x128x128xf32, #tpu.memory_space<vmem>> -> memref<1x128x128xf32, #tpu.memory_space<vmem>>
        %dma_wait3A_362 = tpu.memref_squeeze %dma_wait3A_361 : memref<1x128x128xf32, #tpu.memory_space<vmem>> -> memref<128x128xf32, #tpu.memory_space<vmem>>
        tpu.wait_dma2 semaphore(%run_scoped3A_338 : memref<!tpu.dma_semaphore, #tpu.memory_space<semaphore_mem>>) src(%dma_wait3A_362 : memref<128x128xf32, #tpu.memory_space<vmem>>) dst(%dma_wait3A_358 : memref<128x128xf32, #tpu.memory_space<hbm>>)
        tpu.yield
      }) : () -> ()
      %add3A_174 = arith.constant 4 : i32
      %add3A_175 = arith.addi %add3A_149, %add3A_174 : i32
      %mul3A_176 = arith.constant 1 : i32
      %mul3A_177 = arith.muli %add3A_175, %mul3A_176 : i32
      %add3A_178 = arith.constant 0 : i32
      %add3A_179 = arith.addi %mul3A_177, %add3A_178 : i32
      %dma_start3A_180 = arith.constant 0 : i32
      %dma_start3A_181 = arith.constant 0 : i32
      %dma_start3A_182 = arith.constant 0 : i32
      %dma_start3A_183 = tpu.memref_slice %arg6[%dma_start3A_180, %dma_start3A_181, %dma_start3A_182] : memref<4x128x128xf32, #tpu.memory_space<vmem>> -> memref<1x128x128xf32, #tpu.memory_space<vmem>>
      %dma_start3A_184 = tpu.memref_squeeze %dma_start3A_183 : memref<1x128x128xf32, #tpu.memory_space<vmem>> -> memref<128x128xf32, #tpu.memory_space<vmem>>
      %dma_start3A_185 = arith.constant 0 : i32
      %dma_start3A_186 = arith.constant 0 : i32
      %dma_start3A_187 = tpu.memref_slice %dma_start3A_184[%dma_start3A_185, %dma_start3A_186] : memref<128x128xf32, #tpu.memory_space<vmem>> -> memref<128x128xf32, #tpu.memory_space<vmem>>
      %dma_start3A_188 = arith.constant 0 : i32
      %dma_start3A_189 = tpu.memref_slice %arg5[%add3A_179, %dma_start3A_188] : memref<200x128xi32, #tpu.memory_space<vmem>> -> memref<1x128xi32, #tpu.memory_space<vmem>>
      %dma_start3A_190 = tpu.memref_squeeze %dma_start3A_189 : memref<1x128xi32, #tpu.memory_space<vmem>> -> memref<128xi32, #tpu.memory_space<vmem>>
      %dma_start3A_191 = arith.constant 0 : i32
      %dma_start3A_192 = arith.constant 0 : i32
      %dma_start3A_193 = tpu.memref_slice %arg3[%dma_start3A_191, %dma_start3A_192] : memref<1000000x128xf32, #tpu.memory_space<hbm>> -> memref<1000000x128xf32, #tpu.memory_space<hbm>>
      tpu.enqueue_indirect_dma source(%dma_start3A_193 : memref<1000000x128xf32, #tpu.memory_space<hbm>>) target(%dma_start3A_187 : memref<128x128xf32, #tpu.memory_space<vmem>>) offsets(%dma_start3A_190 : memref<128xi32, #tpu.memory_space<vmem>>) semaphore(%arg7 : memref<!tpu.dma_semaphore, #tpu.memory_space<semaphore_mem>>)
      %mul3A_194 = arith.constant 4 : i32
      %mul3A_195 = arith.muli %scan3A_145, %mul3A_194 : i32
      %add3A_196 = arith.constant 1 : i32
      %add3A_197 = arith.addi %mul3A_195, %add3A_196 : i32
      %mul3A_198 = arith.constant 1 : i32
      %mul3A_199 = arith.muli %add3A_197, %mul3A_198 : i32
      %add3A_200 = arith.constant 0 : i32
      %add3A_201 = arith.addi %mul3A_199, %add3A_200 : i32
      %dma_wait3A_202 = arith.constant 1 : i32
      %dma_wait3A_203 = arith.constant 0 : i32
      %dma_wait3A_204 = arith.constant 0 : i32
      %dma_wait3A_205 = tpu.memref_slice %arg6[%dma_wait3A_202, %dma_wait3A_203, %dma_wait3A_204] : memref<4x128x128xf32, #tpu.memory_space<vmem>> -> memref<1x128x128xf32, #tpu.memory_space<vmem>>
      %dma_wait3A_206 = tpu.memref_squeeze %dma_wait3A_205 : memref<1x128x128xf32, #tpu.memory_space<vmem>> -> memref<128x128xf32, #tpu.memory_space<vmem>>
      %dma_wait3A_207 = arith.constant 0 : i32
      %dma_wait3A_208 = arith.constant 0 : i32
      %dma_wait3A_209 = tpu.memref_slice %dma_wait3A_206[%dma_wait3A_207, %dma_wait3A_208] : memref<128x128xf32, #tpu.memory_space<vmem>> -> memref<128x128xf32, #tpu.memory_space<vmem>>
      %dma_wait3A_210 = arith.constant 0 : i32
      %dma_wait3A_211 = tpu.memref_slice %arg5[%add3A_201, %dma_wait3A_210] : memref<200x128xi32, #tpu.memory_space<vmem>> -> memref<1x128xi32, #tpu.memory_space<vmem>>
      %dma_wait3A_212 = tpu.memref_squeeze %dma_wait3A_211 : memref<1x128xi32, #tpu.memory_space<vmem>> -> memref<128xi32, #tpu.memory_space<vmem>>
      %dma_wait3A_213 = arith.constant 0 : i32
      %dma_wait3A_214 = arith.constant 0 : i32
      %dma_wait3A_215 = tpu.memref_slice %arg3[%dma_wait3A_213, %dma_wait3A_214] : memref<1000000x128xf32, #tpu.memory_space<hbm>> -> memref<1000000x128xf32, #tpu.memory_space<hbm>>
      tpu.wait_indirect_dma semaphore(%arg8 : memref<!tpu.dma_semaphore, #tpu.memory_space<semaphore_mem>>) src(%dma_wait3A_215 : memref<1000000x128xf32, #tpu.memory_space<hbm>>) dst(%dma_wait3A_209 : memref<128x128xf32, #tpu.memory_space<vmem>>)
      %mul3A_216 = arith.constant 1 : i32
      %mul3A_217 = arith.muli %add3A_197, %mul3A_216 : i32
      %add3A_218 = arith.addi %mul3A_2, %mul3A_217 : i32
      %mul3A_219 = arith.constant 128 : i32
      %mul3A_220 = arith.muli %add3A_218, %mul3A_219 : i32
      %run_scoped3A_221 = arith.constant 1 : i32
      "tpu.region"() ({
        %run_scoped3A_338 = tpu.sem_alloc : memref<!tpu.dma_semaphore, #tpu.memory_space<semaphore_mem>>
        %dma_start3A_339 = arith.constant 0 : i32
        %dma_start3A_340 = arith.constant 0 : i32
        %dma_start3A_341 = tpu.memref_slice %arg6[%run_scoped3A_221, %dma_start3A_339, %dma_start3A_340] : memref<4x128x128xf32, #tpu.memory_space<vmem>> -> memref<1x128x128xf32, #tpu.memory_space<vmem>>
        %dma_start3A_342 = tpu.memref_squeeze %dma_start3A_341 : memref<1x128x128xf32, #tpu.memory_space<vmem>> -> memref<128x128xf32, #tpu.memory_space<vmem>>
        %dma_start3A_343 = arith.constant 0 : i32
        %dma_start3A_344 = tpu.memref_slice %arg4[%mul3A_220, %dma_start3A_343] : memref<819200x128xf32, #tpu.memory_space<hbm>> -> memref<128x128xf32, #tpu.memory_space<hbm>>
        %dma_start3A_345 = arith.constant 0 : i32
        %dma_start3A_346 = tpu.memref_slice %arg4[%mul3A_220, %dma_start3A_345] : memref<819200x128xf32, #tpu.memory_space<hbm>> -> memref<128x128xf32, #tpu.memory_space<hbm>>
        %dma_start3A_347 = arith.constant 0 : i32
        %dma_start3A_348 = arith.constant 0 : i32
        %dma_start3A_349 = tpu.memref_slice %arg6[%run_scoped3A_221, %dma_start3A_347, %dma_start3A_348] : memref<4x128x128xf32, #tpu.memory_space<vmem>> -> memref<1x128x128xf32, #tpu.memory_space<vmem>>
        %dma_start3A_350 = tpu.memref_squeeze %dma_start3A_349 : memref<1x128x128xf32, #tpu.memory_space<vmem>> -> memref<128x128xf32, #tpu.memory_space<vmem>>
        tpu.enqueue_dma source(%dma_start3A_350 : memref<128x128xf32, #tpu.memory_space<vmem>>) target(%dma_start3A_346 : memref<128x128xf32, #tpu.memory_space<hbm>>) target_semaphore(%run_scoped3A_338 : memref<!tpu.dma_semaphore, #tpu.memory_space<semaphore_mem>>)
        %dma_wait3A_351 = arith.constant 0 : i32
        %dma_wait3A_352 = arith.constant 0 : i32
        %dma_wait3A_353 = tpu.memref_slice %arg6[%run_scoped3A_221, %dma_wait3A_351, %dma_wait3A_352] : memref<4x128x128xf32, #tpu.memory_space<vmem>> -> memref<1x128x128xf32, #tpu.memory_space<vmem>>
        %dma_wait3A_354 = tpu.memref_squeeze %dma_wait3A_353 : memref<1x128x128xf32, #tpu.memory_space<vmem>> -> memref<128x128xf32, #tpu.memory_space<vmem>>
        %dma_wait3A_355 = arith.constant 0 : i32
        %dma_wait3A_356 = tpu.memref_slice %arg4[%mul3A_220, %dma_wait3A_355] : memref<819200x128xf32, #tpu.memory_space<hbm>> -> memref<128x128xf32, #tpu.memory_space<hbm>>
        %dma_wait3A_357 = arith.constant 0 : i32
        %dma_wait3A_358 = tpu.memref_slice %arg4[%mul3A_220, %dma_wait3A_357] : memref<819200x128xf32, #tpu.memory_space<hbm>> -> memref<128x128xf32, #tpu.memory_space<hbm>>
        %dma_wait3A_359 = arith.constant 0 : i32
        %dma_wait3A_360 = arith.constant 0 : i32
        %dma_wait3A_361 = tpu.memref_slice %arg6[%run_scoped3A_221, %dma_wait3A_359, %dma_wait3A_360] : memref<4x128x128xf32, #tpu.memory_space<vmem>> -> memref<1x128x128xf32, #tpu.memory_space<vmem>>
        %dma_wait3A_362 = tpu.memref_squeeze %dma_wait3A_361 : memref<1x128x128xf32, #tpu.memory_space<vmem>> -> memref<128x128xf32, #tpu.memory_space<vmem>>
        tpu.wait_dma2 semaphore(%run_scoped3A_338 : memref<!tpu.dma_semaphore, #tpu.memory_space<semaphore_mem>>) src(%dma_wait3A_362 : memref<128x128xf32, #tpu.memory_space<vmem>>) dst(%dma_wait3A_358 : memref<128x128xf32, #tpu.memory_space<hbm>>)
        tpu.yield
      }) : () -> ()
      %add3A_222 = arith.constant 4 : i32
      %add3A_223 = arith.addi %add3A_197, %add3A_222 : i32
      %mul3A_224 = arith.constant 1 : i32
      %mul3A_225 = arith.muli %add3A_223, %mul3A_224 : i32
      %add3A_226 = arith.constant 0 : i32
      %add3A_227 = arith.addi %mul3A_225, %add3A_226 : i32
      %dma_start3A_228 = arith.constant 1 : i32
      %dma_start3A_229 = arith.constant 0 : i32
      %dma_start3A_230 = arith.constant 0 : i32
      %dma_start3A_231 = tpu.memref_slice %arg6[%dma_start3A_228, %dma_start3A_229, %dma_start3A_230] : memref<4x128x128xf32, #tpu.memory_space<vmem>> -> memref<1x128x128xf32, #tpu.memory_space<vmem>>
      %dma_start3A_232 = tpu.memref_squeeze %dma_start3A_231 : memref<1x128x128xf32, #tpu.memory_space<vmem>> -> memref<128x128xf32, #tpu.memory_space<vmem>>
      %dma_start3A_233 = arith.constant 0 : i32
      %dma_start3A_234 = arith.constant 0 : i32
      %dma_start3A_235 = tpu.memref_slice %dma_start3A_232[%dma_start3A_233, %dma_start3A_234] : memref<128x128xf32, #tpu.memory_space<vmem>> -> memref<128x128xf32, #tpu.memory_space<vmem>>
      %dma_start3A_236 = arith.constant 0 : i32
      %dma_start3A_237 = tpu.memref_slice %arg5[%add3A_227, %dma_start3A_236] : memref<200x128xi32, #tpu.memory_space<vmem>> -> memref<1x128xi32, #tpu.memory_space<vmem>>
      %dma_start3A_238 = tpu.memref_squeeze %dma_start3A_237 : memref<1x128xi32, #tpu.memory_space<vmem>> -> memref<128xi32, #tpu.memory_space<vmem>>
      %dma_start3A_239 = arith.constant 0 : i32
      %dma_start3A_240 = arith.constant 0 : i32
      %dma_start3A_241 = tpu.memref_slice %arg3[%dma_start3A_239, %dma_start3A_240] : memref<1000000x128xf32, #tpu.memory_space<hbm>> -> memref<1000000x128xf32, #tpu.memory_space<hbm>>
      tpu.enqueue_indirect_dma source(%dma_start3A_241 : memref<1000000x128xf32, #tpu.memory_space<hbm>>) target(%dma_start3A_235 : memref<128x128xf32, #tpu.memory_space<vmem>>) offsets(%dma_start3A_238 : memref<128xi32, #tpu.memory_space<vmem>>) semaphore(%arg8 : memref<!tpu.dma_semaphore, #tpu.memory_space<semaphore_mem>>)
      %mul3A_242 = arith.constant 4 : i32
      %mul3A_243 = arith.muli %scan3A_145, %mul3A_242 : i32
      %add3A_244 = arith.constant 2 : i32
      %add3A_245 = arith.addi %mul3A_243, %add3A_244 : i32
      %mul3A_246 = arith.constant 1 : i32
      %mul3A_247 = arith.muli %add3A_245, %mul3A_246 : i32
      %add3A_248 = arith.constant 0 : i32
      %add3A_249 = arith.addi %mul3A_247, %add3A_248 : i32
      %dma_wait3A_250 = arith.constant 2 : i32
      %dma_wait3A_251 = arith.constant 0 : i32
      %dma_wait3A_252 = arith.constant 0 : i32
      %dma_wait3A_253 = tpu.memref_slice %arg6[%dma_wait3A_250, %dma_wait3A_251, %dma_wait3A_252] : memref<4x128x128xf32, #tpu.memory_space<vmem>> -> memref<1x128x128xf32, #tpu.memory_space<vmem>>
      %dma_wait3A_254 = tpu.memref_squeeze %dma_wait3A_253 : memref<1x128x128xf32, #tpu.memory_space<vmem>> -> memref<128x128xf32, #tpu.memory_space<vmem>>
      %dma_wait3A_255 = arith.constant 0 : i32
      %dma_wait3A_256 = arith.constant 0 : i32
      %dma_wait3A_257 = tpu.memref_slice %dma_wait3A_254[%dma_wait3A_255, %dma_wait3A_256] : memref<128x128xf32, #tpu.memory_space<vmem>> -> memref<128x128xf32, #tpu.memory_space<vmem>>
      %dma_wait3A_258 = arith.constant 0 : i32
      %dma_wait3A_259 = tpu.memref_slice %arg5[%add3A_249, %dma_wait3A_258] : memref<200x128xi32, #tpu.memory_space<vmem>> -> memref<1x128xi32, #tpu.memory_space<vmem>>
      %dma_wait3A_260 = tpu.memref_squeeze %dma_wait3A_259 : memref<1x128xi32, #tpu.memory_space<vmem>> -> memref<128xi32, #tpu.memory_space<vmem>>
      %dma_wait3A_261 = arith.constant 0 : i32
      %dma_wait3A_262 = arith.constant 0 : i32
      %dma_wait3A_263 = tpu.memref_slice %arg3[%dma_wait3A_261, %dma_wait3A_262] : memref<1000000x128xf32, #tpu.memory_space<hbm>> -> memref<1000000x128xf32, #tpu.memory_space<hbm>>
      tpu.wait_indirect_dma semaphore(%arg9 : memref<!tpu.dma_semaphore, #tpu.memory_space<semaphore_mem>>) src(%dma_wait3A_263 : memref<1000000x128xf32, #tpu.memory_space<hbm>>) dst(%dma_wait3A_257 : memref<128x128xf32, #tpu.memory_space<vmem>>)
      %mul3A_264 = arith.constant 1 : i32
      %mul3A_265 = arith.muli %add3A_245, %mul3A_264 : i32
      %add3A_266 = arith.addi %mul3A_2, %mul3A_265 : i32
      %mul3A_267 = arith.constant 128 : i32
      %mul3A_268 = arith.muli %add3A_266, %mul3A_267 : i32
      %run_scoped3A_269 = arith.constant 2 : i32
      "tpu.region"() ({
        %run_scoped3A_338 = tpu.sem_alloc : memref<!tpu.dma_semaphore, #tpu.memory_space<semaphore_mem>>
        %dma_start3A_339 = arith.constant 0 : i32
        %dma_start3A_340 = arith.constant 0 : i32
        %dma_start3A_341 = tpu.memref_slice %arg6[%run_scoped3A_269, %dma_start3A_339, %dma_start3A_340] : memref<4x128x128xf32, #tpu.memory_space<vmem>> -> memref<1x128x128xf32, #tpu.memory_space<vmem>>
        %dma_start3A_342 = tpu.memref_squeeze %dma_start3A_341 : memref<1x128x128xf32, #tpu.memory_space<vmem>> -> memref<128x128xf32, #tpu.memory_space<vmem>>
        %dma_start3A_343 = arith.constant 0 : i32
        %dma_start3A_344 = tpu.memref_slice %arg4[%mul3A_268, %dma_start3A_343] : memref<819200x128xf32, #tpu.memory_space<hbm>> -> memref<128x128xf32, #tpu.memory_space<hbm>>
        %dma_start3A_345 = arith.constant 0 : i32
        %dma_start3A_346 = tpu.memref_slice %arg4[%mul3A_268, %dma_start3A_345] : memref<819200x128xf32, #tpu.memory_space<hbm>> -> memref<128x128xf32, #tpu.memory_space<hbm>>
        %dma_start3A_347 = arith.constant 0 : i32
        %dma_start3A_348 = arith.constant 0 : i32
        %dma_start3A_349 = tpu.memref_slice %arg6[%run_scoped3A_269, %dma_start3A_347, %dma_start3A_348] : memref<4x128x128xf32, #tpu.memory_space<vmem>> -> memref<1x128x128xf32, #tpu.memory_space<vmem>>
        %dma_start3A_350 = tpu.memref_squeeze %dma_start3A_349 : memref<1x128x128xf32, #tpu.memory_space<vmem>> -> memref<128x128xf32, #tpu.memory_space<vmem>>
        tpu.enqueue_dma source(%dma_start3A_350 : memref<128x128xf32, #tpu.memory_space<vmem>>) target(%dma_start3A_346 : memref<128x128xf32, #tpu.memory_space<hbm>>) target_semaphore(%run_scoped3A_338 : memref<!tpu.dma_semaphore, #tpu.memory_space<semaphore_mem>>)
        %dma_wait3A_351 = arith.constant 0 : i32
        %dma_wait3A_352 = arith.constant 0 : i32
        %dma_wait3A_353 = tpu.memref_slice %arg6[%run_scoped3A_269, %dma_wait3A_351, %dma_wait3A_352] : memref<4x128x128xf32, #tpu.memory_space<vmem>> -> memref<1x128x128xf32, #tpu.memory_space<vmem>>
        %dma_wait3A_354 = tpu.memref_squeeze %dma_wait3A_353 : memref<1x128x128xf32, #tpu.memory_space<vmem>> -> memref<128x128xf32, #tpu.memory_space<vmem>>
        %dma_wait3A_355 = arith.constant 0 : i32
        %dma_wait3A_356 = tpu.memref_slice %arg4[%mul3A_268, %dma_wait3A_355] : memref<819200x128xf32, #tpu.memory_space<hbm>> -> memref<128x128xf32, #tpu.memory_space<hbm>>
        %dma_wait3A_357 = arith.constant 0 : i32
        %dma_wait3A_358 = tpu.memref_slice %arg4[%mul3A_268, %dma_wait3A_357] : memref<819200x128xf32, #tpu.memory_space<hbm>> -> memref<128x128xf32, #tpu.memory_space<hbm>>
        %dma_wait3A_359 = arith.constant 0 : i32
        %dma_wait3A_360 = arith.constant 0 : i32
        %dma_wait3A_361 = tpu.memref_slice %arg6[%run_scoped3A_269, %dma_wait3A_359, %dma_wait3A_360] : memref<4x128x128xf32, #tpu.memory_space<vmem>> -> memref<1x128x128xf32, #tpu.memory_space<vmem>>
        %dma_wait3A_362 = tpu.memref_squeeze %dma_wait3A_361 : memref<1x128x128xf32, #tpu.memory_space<vmem>> -> memref<128x128xf32, #tpu.memory_space<vmem>>
        tpu.wait_dma2 semaphore(%run_scoped3A_338 : memref<!tpu.dma_semaphore, #tpu.memory_space<semaphore_mem>>) src(%dma_wait3A_362 : memref<128x128xf32, #tpu.memory_space<vmem>>) dst(%dma_wait3A_358 : memref<128x128xf32, #tpu.memory_space<hbm>>)
        tpu.yield
      }) : () -> ()
      %add3A_270 = arith.constant 4 : i32
      %add3A_271 = arith.addi %add3A_245, %add3A_270 : i32
      %mul3A_272 = arith.constant 1 : i32
      %mul3A_273 = arith.muli %add3A_271, %mul3A_272 : i32
      %add3A_274 = arith.constant 0 : i32
      %add3A_275 = arith.addi %mul3A_273, %add3A_274 : i32
      %dma_start3A_276 = arith.constant 2 : i32
      %dma_start3A_277 = arith.constant 0 : i32
      %dma_start3A_278 = arith.constant 0 : i32
      %dma_start3A_279 = tpu.memref_slice %arg6[%dma_start3A_276, %dma_start3A_277, %dma_start3A_278] : memref<4x128x128xf32, #tpu.memory_space<vmem>> -> memref<1x128x128xf32, #tpu.memory_space<vmem>>
      %dma_start3A_280 = tpu.memref_squeeze %dma_start3A_279 : memref<1x128x128xf32, #tpu.memory_space<vmem>> -> memref<128x128xf32, #tpu.memory_space<vmem>>
      %dma_start3A_281 = arith.constant 0 : i32
      %dma_start3A_282 = arith.constant 0 : i32
      %dma_start3A_283 = tpu.memref_slice %dma_start3A_280[%dma_start3A_281, %dma_start3A_282] : memref<128x128xf32, #tpu.memory_space<vmem>> -> memref<128x128xf32, #tpu.memory_space<vmem>>
      %dma_start3A_284 = arith.constant 0 : i32
      %dma_start3A_285 = tpu.memref_slice %arg5[%add3A_275, %dma_start3A_284] : memref<200x128xi32, #tpu.memory_space<vmem>> -> memref<1x128xi32, #tpu.memory_space<vmem>>
      %dma_start3A_286 = tpu.memref_squeeze %dma_start3A_285 : memref<1x128xi32, #tpu.memory_space<vmem>> -> memref<128xi32, #tpu.memory_space<vmem>>
      %dma_start3A_287 = arith.constant 0 : i32
      %dma_start3A_288 = arith.constant 0 : i32
      %dma_start3A_289 = tpu.memref_slice %arg3[%dma_start3A_287, %dma_start3A_288] : memref<1000000x128xf32, #tpu.memory_space<hbm>> -> memref<1000000x128xf32, #tpu.memory_space<hbm>>
      tpu.enqueue_indirect_dma source(%dma_start3A_289 : memref<1000000x128xf32, #tpu.memory_space<hbm>>) target(%dma_start3A_283 : memref<128x128xf32, #tpu.memory_space<vmem>>) offsets(%dma_start3A_286 : memref<128xi32, #tpu.memory_space<vmem>>) semaphore(%arg9 : memref<!tpu.dma_semaphore, #tpu.memory_space<semaphore_mem>>)
      %mul3A_290 = arith.constant 4 : i32
      %mul3A_291 = arith.muli %scan3A_145, %mul3A_290 : i32
      %add3A_292 = arith.constant 3 : i32
      %add3A_293 = arith.addi %mul3A_291, %add3A_292 : i32
      %mul3A_294 = arith.constant 1 : i32
      %mul3A_295 = arith.muli %add3A_293, %mul3A_294 : i32
      %add3A_296 = arith.constant 0 : i32
      %add3A_297 = arith.addi %mul3A_295, %add3A_296 : i32
      %dma_wait3A_298 = arith.constant 3 : i32
      %dma_wait3A_299 = arith.constant 0 : i32
      %dma_wait3A_300 = arith.constant 0 : i32
      %dma_wait3A_301 = tpu.memref_slice %arg6[%dma_wait3A_298, %dma_wait3A_299, %dma_wait3A_300] : memref<4x128x128xf32, #tpu.memory_space<vmem>> -> memref<1x128x128xf32, #tpu.memory_space<vmem>>
      %dma_wait3A_302 = tpu.memref_squeeze %dma_wait3A_301 : memref<1x128x128xf32, #tpu.memory_space<vmem>> -> memref<128x128xf32, #tpu.memory_space<vmem>>
      %dma_wait3A_303 = arith.constant 0 : i32
      %dma_wait3A_304 = arith.constant 0 : i32
      %dma_wait3A_305 = tpu.memref_slice %dma_wait3A_302[%dma_wait3A_303, %dma_wait3A_304] : memref<128x128xf32, #tpu.memory_space<vmem>> -> memref<128x128xf32, #tpu.memory_space<vmem>>
      %dma_wait3A_306 = arith.constant 0 : i32
      %dma_wait3A_307 = tpu.memref_slice %arg5[%add3A_297, %dma_wait3A_306] : memref<200x128xi32, #tpu.memory_space<vmem>> -> memref<1x128xi32, #tpu.memory_space<vmem>>
      %dma_wait3A_308 = tpu.memref_squeeze %dma_wait3A_307 : memref<1x128xi32, #tpu.memory_space<vmem>> -> memref<128xi32, #tpu.memory_space<vmem>>
      %dma_wait3A_309 = arith.constant 0 : i32
      %dma_wait3A_310 = arith.constant 0 : i32
      %dma_wait3A_311 = tpu.memref_slice %arg3[%dma_wait3A_309, %dma_wait3A_310] : memref<1000000x128xf32, #tpu.memory_space<hbm>> -> memref<1000000x128xf32, #tpu.memory_space<hbm>>
      tpu.wait_indirect_dma semaphore(%arg10 : memref<!tpu.dma_semaphore, #tpu.memory_space<semaphore_mem>>) src(%dma_wait3A_311 : memref<1000000x128xf32, #tpu.memory_space<hbm>>) dst(%dma_wait3A_305 : memref<128x128xf32, #tpu.memory_space<vmem>>)
      %mul3A_312 = arith.constant 1 : i32
      %mul3A_313 = arith.muli %add3A_293, %mul3A_312 : i32
      %add3A_314 = arith.addi %mul3A_2, %mul3A_313 : i32
      %mul3A_315 = arith.constant 128 : i32
      %mul3A_316 = arith.muli %add3A_314, %mul3A_315 : i32
      %run_scoped3A_317 = arith.constant 3 : i32
      "tpu.region"() ({
        %run_scoped3A_338 = tpu.sem_alloc : memref<!tpu.dma_semaphore, #tpu.memory_space<semaphore_mem>>
        %dma_start3A_339 = arith.constant 0 : i32
        %dma_start3A_340 = arith.constant 0 : i32
        %dma_start3A_341 = tpu.memref_slice %arg6[%run_scoped3A_317, %dma_start3A_339, %dma_start3A_340] : memref<4x128x128xf32, #tpu.memory_space<vmem>> -> memref<1x128x128xf32, #tpu.memory_space<vmem>>
        %dma_start3A_342 = tpu.memref_squeeze %dma_start3A_341 : memref<1x128x128xf32, #tpu.memory_space<vmem>> -> memref<128x128xf32, #tpu.memory_space<vmem>>
        %dma_start3A_343 = arith.constant 0 : i32
        %dma_start3A_344 = tpu.memref_slice %arg4[%mul3A_316, %dma_start3A_343] : memref<819200x128xf32, #tpu.memory_space<hbm>> -> memref<128x128xf32, #tpu.memory_space<hbm>>
        %dma_start3A_345 = arith.constant 0 : i32
        %dma_start3A_346 = tpu.memref_slice %arg4[%mul3A_316, %dma_start3A_345] : memref<819200x128xf32, #tpu.memory_space<hbm>> -> memref<128x128xf32, #tpu.memory_space<hbm>>
        %dma_start3A_347 = arith.constant 0 : i32
        %dma_start3A_348 = arith.constant 0 : i32
        %dma_start3A_349 = tpu.memref_slice %arg6[%run_scoped3A_317, %dma_start3A_347, %dma_start3A_348] : memref<4x128x128xf32, #tpu.memory_space<vmem>> -> memref<1x128x128xf32, #tpu.memory_space<vmem>>
        %dma_start3A_350 = tpu.memref_squeeze %dma_start3A_349 : memref<1x128x128xf32, #tpu.memory_space<vmem>> -> memref<128x128xf32, #tpu.memory_space<vmem>>
        tpu.enqueue_dma source(%dma_start3A_350 : memref<128x128xf32, #tpu.memory_space<vmem>>) target(%dma_start3A_346 : memref<128x128xf32, #tpu.memory_space<hbm>>) target_semaphore(%run_scoped3A_338 : memref<!tpu.dma_semaphore, #tpu.memory_space<semaphore_mem>>)
        %dma_wait3A_351 = arith.constant 0 : i32
        %dma_wait3A_352 = arith.constant 0 : i32
        %dma_wait3A_353 = tpu.memref_slice %arg6[%run_scoped3A_317, %dma_wait3A_351, %dma_wait3A_352] : memref<4x128x128xf32, #tpu.memory_space<vmem>> -> memref<1x128x128xf32, #tpu.memory_space<vmem>>
        %dma_wait3A_354 = tpu.memref_squeeze %dma_wait3A_353 : memref<1x128x128xf32, #tpu.memory_space<vmem>> -> memref<128x128xf32, #tpu.memory_space<vmem>>
        %dma_wait3A_355 = arith.constant 0 : i32
        %dma_wait3A_356 = tpu.memref_slice %arg4[%mul3A_316, %dma_wait3A_355] : memref<819200x128xf32, #tpu.memory_space<hbm>> -> memref<128x128xf32, #tpu.memory_space<hbm>>
        %dma_wait3A_357 = arith.constant 0 : i32
        %dma_wait3A_358 = tpu.memref_slice %arg4[%mul3A_316, %dma_wait3A_357] : memref<819200x128xf32, #tpu.memory_space<hbm>> -> memref<128x128xf32, #tpu.memory_space<hbm>>
        %dma_wait3A_359 = arith.constant 0 : i32
        %dma_wait3A_360 = arith.constant 0 : i32
        %dma_wait3A_361 = tpu.memref_slice %arg6[%run_scoped3A_317, %dma_wait3A_359, %dma_wait3A_360] : memref<4x128x128xf32, #tpu.memory_space<vmem>> -> memref<1x128x128xf32, #tpu.memory_space<vmem>>
        %dma_wait3A_362 = tpu.memref_squeeze %dma_wait3A_361 : memref<1x128x128xf32, #tpu.memory_space<vmem>> -> memref<128x128xf32, #tpu.memory_space<vmem>>
        tpu.wait_dma2 semaphore(%run_scoped3A_338 : memref<!tpu.dma_semaphore, #tpu.memory_space<semaphore_mem>>) src(%dma_wait3A_362 : memref<128x128xf32, #tpu.memory_space<vmem>>) dst(%dma_wait3A_358 : memref<128x128xf32, #tpu.memory_space<hbm>>)
        tpu.yield
      }) : () -> ()
      %add3A_318 = arith.constant 4 : i32
      %add3A_319 = arith.addi %add3A_293, %add3A_318 : i32
      %mul3A_320 = arith.constant 1 : i32
      %mul3A_321 = arith.muli %add3A_319, %mul3A_320 : i32
      %add3A_322 = arith.constant 0 : i32
      %add3A_323 = arith.addi %mul3A_321, %add3A_322 : i32
      %dma_start3A_324 = arith.constant 3 : i32
      %dma_start3A_325 = arith.constant 0 : i32
      %dma_start3A_326 = arith.constant 0 : i32
      %dma_start3A_327 = tpu.memref_slice %arg6[%dma_start3A_324, %dma_start3A_325, %dma_start3A_326] : memref<4x128x128xf32, #tpu.memory_space<vmem>> -> memref<1x128x128xf32, #tpu.memory_space<vmem>>
      %dma_start3A_328 = tpu.memref_squeeze %dma_start3A_327 : memref<1x128x128xf32, #tpu.memory_space<vmem>> -> memref<128x128xf32, #tpu.memory_space<vmem>>
      %dma_start3A_329 = arith.constant 0 : i32
      %dma_start3A_330 = arith.constant 0 : i32
      %dma_start3A_331 = tpu.memref_slice %dma_start3A_328[%dma_start3A_329, %dma_start3A_330] : memref<128x128xf32, #tpu.memory_space<vmem>> -> memref<128x128xf32, #tpu.memory_space<vmem>>
      %dma_start3A_332 = arith.constant 0 : i32
      %dma_start3A_333 = tpu.memref_slice %arg5[%add3A_323, %dma_start3A_332] : memref<200x128xi32, #tpu.memory_space<vmem>> -> memref<1x128xi32, #tpu.memory_space<vmem>>
      %dma_start3A_334 = tpu.memref_squeeze %dma_start3A_333 : memref<1x128xi32, #tpu.memory_space<vmem>> -> memref<128xi32, #tpu.memory_space<vmem>>
      %dma_start3A_335 = arith.constant 0 : i32
      %dma_start3A_336 = arith.constant 0 : i32
      %dma_start3A_337 = tpu.memref_slice %arg3[%dma_start3A_335, %dma_start3A_336] : memref<1000000x128xf32, #tpu.memory_space<hbm>> -> memref<1000000x128xf32, #tpu.memory_space<hbm>>
      tpu.enqueue_indirect_dma source(%dma_start3A_337 : memref<1000000x128xf32, #tpu.memory_space<hbm>>) target(%dma_start3A_331 : memref<128x128xf32, #tpu.memory_space<vmem>>) offsets(%dma_start3A_334 : memref<128xi32, #tpu.memory_space<vmem>>) semaphore(%arg10 : memref<!tpu.dma_semaphore, #tpu.memory_space<semaphore_mem>>)
    }
    %scan3A_66 = arith.constant 49 : i32
    %dma_wait3A = arith.constant 196 : i32
    %dma_wait3A_67 = arith.constant 0 : i32
    %dma_wait3A_68 = arith.constant 0 : i32
    %dma_wait3A_69 = arith.constant 0 : i32
    %dma_wait3A_70 = tpu.memref_slice %arg6[%dma_wait3A_67, %dma_wait3A_68, %dma_wait3A_69] : memref<4x128x128xf32, #tpu.memory_space<vmem>> -> memref<1x128x128xf32, #tpu.memory_space<vmem>>
    %dma_wait3A_71 = tpu.memref_squeeze %dma_wait3A_70 : memref<1x128x128xf32, #tpu.memory_space<vmem>> -> memref<128x128xf32, #tpu.memory_space<vmem>>
    %dma_wait3A_72 = arith.constant 0 : i32
    %dma_wait3A_73 = arith.constant 0 : i32
    %dma_wait3A_74 = tpu.memref_slice %dma_wait3A_71[%dma_wait3A_72, %dma_wait3A_73] : memref<128x128xf32, #tpu.memory_space<vmem>> -> memref<128x128xf32, #tpu.memory_space<vmem>>
    %dma_wait3A_75 = arith.constant 0 : i32
    %dma_wait3A_76 = tpu.memref_slice %arg5[%dma_wait3A, %dma_wait3A_75] : memref<200x128xi32, #tpu.memory_space<vmem>> -> memref<1x128xi32, #tpu.memory_space<vmem>>
    %dma_wait3A_77 = tpu.memref_squeeze %dma_wait3A_76 : memref<1x128xi32, #tpu.memory_space<vmem>> -> memref<128xi32, #tpu.memory_space<vmem>>
    %dma_wait3A_78 = arith.constant 0 : i32
    %dma_wait3A_79 = arith.constant 0 : i32
    %dma_wait3A_80 = tpu.memref_slice %arg3[%dma_wait3A_78, %dma_wait3A_79] : memref<1000000x128xf32, #tpu.memory_space<hbm>> -> memref<1000000x128xf32, #tpu.memory_space<hbm>>
    tpu.wait_indirect_dma semaphore(%arg7 : memref<!tpu.dma_semaphore, #tpu.memory_space<semaphore_mem>>) src(%dma_wait3A_80 : memref<1000000x128xf32, #tpu.memory_space<hbm>>) dst(%dma_wait3A_74 : memref<128x128xf32, #tpu.memory_space<vmem>>)
    %add3A_81 = arith.constant 196 : i32
    %add3A_82 = arith.addi %mul3A_2, %add3A_81 : i32
    %mul3A_83 = arith.constant 128 : i32
    %mul3A_84 = arith.muli %add3A_82, %mul3A_83 : i32
    %run_scoped3A = arith.constant 0 : i32
    "tpu.region"() ({
      %run_scoped3A_145 = tpu.sem_alloc : memref<!tpu.dma_semaphore, #tpu.memory_space<semaphore_mem>>
      %dma_start3A_146 = arith.constant 0 : i32
      %dma_start3A_147 = arith.constant 0 : i32
      %dma_start3A_148 = tpu.memref_slice %arg6[%run_scoped3A, %dma_start3A_146, %dma_start3A_147] : memref<4x128x128xf32, #tpu.memory_space<vmem>> -> memref<1x128x128xf32, #tpu.memory_space<vmem>>
      %dma_start3A_149 = tpu.memref_squeeze %dma_start3A_148 : memref<1x128x128xf32, #tpu.memory_space<vmem>> -> memref<128x128xf32, #tpu.memory_space<vmem>>
      %dma_start3A_150 = arith.constant 0 : i32
      %dma_start3A_151 = tpu.memref_slice %arg4[%mul3A_84, %dma_start3A_150] : memref<819200x128xf32, #tpu.memory_space<hbm>> -> memref<128x128xf32, #tpu.memory_space<hbm>>
      %dma_start3A_152 = arith.constant 0 : i32
      %dma_start3A_153 = tpu.memref_slice %arg4[%mul3A_84, %dma_start3A_152] : memref<819200x128xf32, #tpu.memory_space<hbm>> -> memref<128x128xf32, #tpu.memory_space<hbm>>
      %dma_start3A_154 = arith.constant 0 : i32
      %dma_start3A_155 = arith.constant 0 : i32
      %dma_start3A_156 = tpu.memref_slice %arg6[%run_scoped3A, %dma_start3A_154, %dma_start3A_155] : memref<4x128x128xf32, #tpu.memory_space<vmem>> -> memref<1x128x128xf32, #tpu.memory_space<vmem>>
      %dma_start3A_157 = tpu.memref_squeeze %dma_start3A_156 : memref<1x128x128xf32, #tpu.memory_space<vmem>> -> memref<128x128xf32, #tpu.memory_space<vmem>>
      tpu.enqueue_dma source(%dma_start3A_157 : memref<128x128xf32, #tpu.memory_space<vmem>>) target(%dma_start3A_153 : memref<128x128xf32, #tpu.memory_space<hbm>>) target_semaphore(%run_scoped3A_145 : memref<!tpu.dma_semaphore, #tpu.memory_space<semaphore_mem>>)
      %dma_wait3A_158 = arith.constant 0 : i32
      %dma_wait3A_159 = arith.constant 0 : i32
      %dma_wait3A_160 = tpu.memref_slice %arg6[%run_scoped3A, %dma_wait3A_158, %dma_wait3A_159] : memref<4x128x128xf32, #tpu.memory_space<vmem>> -> memref<1x128x128xf32, #tpu.memory_space<vmem>>
      %dma_wait3A_161 = tpu.memref_squeeze %dma_wait3A_160 : memref<1x128x128xf32, #tpu.memory_space<vmem>> -> memref<128x128xf32, #tpu.memory_space<vmem>>
      %dma_wait3A_162 = arith.constant 0 : i32
      %dma_wait3A_163 = tpu.memref_slice %arg4[%mul3A_84, %dma_wait3A_162] : memref<819200x128xf32, #tpu.memory_space<hbm>> -> memref<128x128xf32, #tpu.memory_space<hbm>>
      %dma_wait3A_164 = arith.constant 0 : i32
      %dma_wait3A_165 = tpu.memref_slice %arg4[%mul3A_84, %dma_wait3A_164] : memref<819200x128xf32, #tpu.memory_space<hbm>> -> memref<128x128xf32, #tpu.memory_space<hbm>>
      %dma_wait3A_166 = arith.constant 0 : i32
      %dma_wait3A_167 = arith.constant 0 : i32
      %dma_wait3A_168 = tpu.memref_slice %arg6[%run_scoped3A, %dma_wait3A_166, %dma_wait3A_167] : memref<4x128x128xf32, #tpu.memory_space<vmem>> -> memref<1x128x128xf32, #tpu.memory_space<vmem>>
      %dma_wait3A_169 = tpu.memref_squeeze %dma_wait3A_168 : memref<1x128x128xf32, #tpu.memory_space<vmem>> -> memref<128x128xf32, #tpu.memory_space<vmem>>
      tpu.wait_dma2 semaphore(%run_scoped3A_145 : memref<!tpu.dma_semaphore, #tpu.memory_space<semaphore_mem>>) src(%dma_wait3A_169 : memref<128x128xf32, #tpu.memory_space<vmem>>) dst(%dma_wait3A_165 : memref<128x128xf32, #tpu.memory_space<hbm>>)
      tpu.yield
    }) : () -> ()
    %dma_wait3A_85 = arith.constant 197 : i32
    %dma_wait3A_86 = arith.constant 1 : i32
    %dma_wait3A_87 = arith.constant 0 : i32
    %dma_wait3A_88 = arith.constant 0 : i32
    %dma_wait3A_89 = tpu.memref_slice %arg6[%dma_wait3A_86, %dma_wait3A_87, %dma_wait3A_88] : memref<4x128x128xf32, #tpu.memory_space<vmem>> -> memref<1x128x128xf32, #tpu.memory_space<vmem>>
    %dma_wait3A_90 = tpu.memref_squeeze %dma_wait3A_89 : memref<1x128x128xf32, #tpu.memory_space<vmem>> -> memref<128x128xf32, #tpu.memory_space<vmem>>
    %dma_wait3A_91 = arith.constant 0 : i32
    %dma_wait3A_92 = arith.constant 0 : i32
    %dma_wait3A_93 = tpu.memref_slice %dma_wait3A_90[%dma_wait3A_91, %dma_wait3A_92] : memref<128x128xf32, #tpu.memory_space<vmem>> -> memref<128x128xf32, #tpu.memory_space<vmem>>
    %dma_wait3A_94 = arith.constant 0 : i32
    %dma_wait3A_95 = tpu.memref_slice %arg5[%dma_wait3A_85, %dma_wait3A_94] : memref<200x128xi32, #tpu.memory_space<vmem>> -> memref<1x128xi32, #tpu.memory_space<vmem>>
    %dma_wait3A_96 = tpu.memref_squeeze %dma_wait3A_95 : memref<1x128xi32, #tpu.memory_space<vmem>> -> memref<128xi32, #tpu.memory_space<vmem>>
    %dma_wait3A_97 = arith.constant 0 : i32
    %dma_wait3A_98 = arith.constant 0 : i32
    %dma_wait3A_99 = tpu.memref_slice %arg3[%dma_wait3A_97, %dma_wait3A_98] : memref<1000000x128xf32, #tpu.memory_space<hbm>> -> memref<1000000x128xf32, #tpu.memory_space<hbm>>
    tpu.wait_indirect_dma semaphore(%arg8 : memref<!tpu.dma_semaphore, #tpu.memory_space<semaphore_mem>>) src(%dma_wait3A_99 : memref<1000000x128xf32, #tpu.memory_space<hbm>>) dst(%dma_wait3A_93 : memref<128x128xf32, #tpu.memory_space<vmem>>)
    %add3A_100 = arith.constant 197 : i32
    %add3A_101 = arith.addi %mul3A_2, %add3A_100 : i32
    %mul3A_102 = arith.constant 128 : i32
    %mul3A_103 = arith.muli %add3A_101, %mul3A_102 : i32
    %run_scoped3A_104 = arith.constant 1 : i32
    "tpu.region"() ({
      %run_scoped3A_145 = tpu.sem_alloc : memref<!tpu.dma_semaphore, #tpu.memory_space<semaphore_mem>>
      %dma_start3A_146 = arith.constant 0 : i32
      %dma_start3A_147 = arith.constant 0 : i32
      %dma_start3A_148 = tpu.memref_slice %arg6[%run_scoped3A_104, %dma_start3A_146, %dma_start3A_147] : memref<4x128x128xf32, #tpu.memory_space<vmem>> -> memref<1x128x128xf32, #tpu.memory_space<vmem>>
      %dma_start3A_149 = tpu.memref_squeeze %dma_start3A_148 : memref<1x128x128xf32, #tpu.memory_space<vmem>> -> memref<128x128xf32, #tpu.memory_space<vmem>>
      %dma_start3A_150 = arith.constant 0 : i32
      %dma_start3A_151 = tpu.memref_slice %arg4[%mul3A_103, %dma_start3A_150] : memref<819200x128xf32, #tpu.memory_space<hbm>> -> memref<128x128xf32, #tpu.memory_space<hbm>>
      %dma_start3A_152 = arith.constant 0 : i32
      %dma_start3A_153 = tpu.memref_slice %arg4[%mul3A_103, %dma_start3A_152] : memref<819200x128xf32, #tpu.memory_space<hbm>> -> memref<128x128xf32, #tpu.memory_space<hbm>>
      %dma_start3A_154 = arith.constant 0 : i32
      %dma_start3A_155 = arith.constant 0 : i32
      %dma_start3A_156 = tpu.memref_slice %arg6[%run_scoped3A_104, %dma_start3A_154, %dma_start3A_155] : memref<4x128x128xf32, #tpu.memory_space<vmem>> -> memref<1x128x128xf32, #tpu.memory_space<vmem>>
      %dma_start3A_157 = tpu.memref_squeeze %dma_start3A_156 : memref<1x128x128xf32, #tpu.memory_space<vmem>> -> memref<128x128xf32, #tpu.memory_space<vmem>>
      tpu.enqueue_dma source(%dma_start3A_157 : memref<128x128xf32, #tpu.memory_space<vmem>>) target(%dma_start3A_153 : memref<128x128xf32, #tpu.memory_space<hbm>>) target_semaphore(%run_scoped3A_145 : memref<!tpu.dma_semaphore, #tpu.memory_space<semaphore_mem>>)
      %dma_wait3A_158 = arith.constant 0 : i32
      %dma_wait3A_159 = arith.constant 0 : i32
      %dma_wait3A_160 = tpu.memref_slice %arg6[%run_scoped3A_104, %dma_wait3A_158, %dma_wait3A_159] : memref<4x128x128xf32, #tpu.memory_space<vmem>> -> memref<1x128x128xf32, #tpu.memory_space<vmem>>
      %dma_wait3A_161 = tpu.memref_squeeze %dma_wait3A_160 : memref<1x128x128xf32, #tpu.memory_space<vmem>> -> memref<128x128xf32, #tpu.memory_space<vmem>>
      %dma_wait3A_162 = arith.constant 0 : i32
      %dma_wait3A_163 = tpu.memref_slice %arg4[%mul3A_103, %dma_wait3A_162] : memref<819200x128xf32, #tpu.memory_space<hbm>> -> memref<128x128xf32, #tpu.memory_space<hbm>>
      %dma_wait3A_164 = arith.constant 0 : i32
      %dma_wait3A_165 = tpu.memref_slice %arg4[%mul3A_103, %dma_wait3A_164] : memref<819200x128xf32, #tpu.memory_space<hbm>> -> memref<128x128xf32, #tpu.memory_space<hbm>>
      %dma_wait3A_166 = arith.constant 0 : i32
      %dma_wait3A_167 = arith.constant 0 : i32
      %dma_wait3A_168 = tpu.memref_slice %arg6[%run_scoped3A_104, %dma_wait3A_166, %dma_wait3A_167] : memref<4x128x128xf32, #tpu.memory_space<vmem>> -> memref<1x128x128xf32, #tpu.memory_space<vmem>>
      %dma_wait3A_169 = tpu.memref_squeeze %dma_wait3A_168 : memref<1x128x128xf32, #tpu.memory_space<vmem>> -> memref<128x128xf32, #tpu.memory_space<vmem>>
      tpu.wait_dma2 semaphore(%run_scoped3A_145 : memref<!tpu.dma_semaphore, #tpu.memory_space<semaphore_mem>>) src(%dma_wait3A_169 : memref<128x128xf32, #tpu.memory_space<vmem>>) dst(%dma_wait3A_165 : memref<128x128xf32, #tpu.memory_space<hbm>>)
      tpu.yield
    }) : () -> ()
    %dma_wait3A_105 = arith.constant 198 : i32
    %dma_wait3A_106 = arith.constant 2 : i32
    %dma_wait3A_107 = arith.constant 0 : i32
    %dma_wait3A_108 = arith.constant 0 : i32
    %dma_wait3A_109 = tpu.memref_slice %arg6[%dma_wait3A_106, %dma_wait3A_107, %dma_wait3A_108] : memref<4x128x128xf32, #tpu.memory_space<vmem>> -> memref<1x128x128xf32, #tpu.memory_space<vmem>>
    %dma_wait3A_110 = tpu.memref_squeeze %dma_wait3A_109 : memref<1x128x128xf32, #tpu.memory_space<vmem>> -> memref<128x128xf32, #tpu.memory_space<vmem>>
    %dma_wait3A_111 = arith.constant 0 : i32
    %dma_wait3A_112 = arith.constant 0 : i32
    %dma_wait3A_113 = tpu.memref_slice %dma_wait3A_110[%dma_wait3A_111, %dma_wait3A_112] : memref<128x128xf32, #tpu.memory_space<vmem>> -> memref<128x128xf32, #tpu.memory_space<vmem>>
    %dma_wait3A_114 = arith.constant 0 : i32
    %dma_wait3A_115 = tpu.memref_slice %arg5[%dma_wait3A_105, %dma_wait3A_114] : memref<200x128xi32, #tpu.memory_space<vmem>> -> memref<1x128xi32, #tpu.memory_space<vmem>>
    %dma_wait3A_116 = tpu.memref_squeeze %dma_wait3A_115 : memref<1x128xi32, #tpu.memory_space<vmem>> -> memref<128xi32, #tpu.memory_space<vmem>>
    %dma_wait3A_117 = arith.constant 0 : i32
    %dma_wait3A_118 = arith.constant 0 : i32
    %dma_wait3A_119 = tpu.memref_slice %arg3[%dma_wait3A_117, %dma_wait3A_118] : memref<1000000x128xf32, #tpu.memory_space<hbm>> -> memref<1000000x128xf32, #tpu.memory_space<hbm>>
    tpu.wait_indirect_dma semaphore(%arg9 : memref<!tpu.dma_semaphore, #tpu.memory_space<semaphore_mem>>) src(%dma_wait3A_119 : memref<1000000x128xf32, #tpu.memory_space<hbm>>) dst(%dma_wait3A_113 : memref<128x128xf32, #tpu.memory_space<vmem>>)
    %add3A_120 = arith.constant 198 : i32
    %add3A_121 = arith.addi %mul3A_2, %add3A_120 : i32
    %mul3A_122 = arith.constant 128 : i32
    %mul3A_123 = arith.muli %add3A_121, %mul3A_122 : i32
    %run_scoped3A_124 = arith.constant 2 : i32
    "tpu.region"() ({
      %run_scoped3A_145 = tpu.sem_alloc : memref<!tpu.dma_semaphore, #tpu.memory_space<semaphore_mem>>
      %dma_start3A_146 = arith.constant 0 : i32
      %dma_start3A_147 = arith.constant 0 : i32
      %dma_start3A_148 = tpu.memref_slice %arg6[%run_scoped3A_124, %dma_start3A_146, %dma_start3A_147] : memref<4x128x128xf32, #tpu.memory_space<vmem>> -> memref<1x128x128xf32, #tpu.memory_space<vmem>>
      %dma_start3A_149 = tpu.memref_squeeze %dma_start3A_148 : memref<1x128x128xf32, #tpu.memory_space<vmem>> -> memref<128x128xf32, #tpu.memory_space<vmem>>
      %dma_start3A_150 = arith.constant 0 : i32
      %dma_start3A_151 = tpu.memref_slice %arg4[%mul3A_123, %dma_start3A_150] : memref<819200x128xf32, #tpu.memory_space<hbm>> -> memref<128x128xf32, #tpu.memory_space<hbm>>
      %dma_start3A_152 = arith.constant 0 : i32
      %dma_start3A_153 = tpu.memref_slice %arg4[%mul3A_123, %dma_start3A_152] : memref<819200x128xf32, #tpu.memory_space<hbm>> -> memref<128x128xf32, #tpu.memory_space<hbm>>
      %dma_start3A_154 = arith.constant 0 : i32
      %dma_start3A_155 = arith.constant 0 : i32
      %dma_start3A_156 = tpu.memref_slice %arg6[%run_scoped3A_124, %dma_start3A_154, %dma_start3A_155] : memref<4x128x128xf32, #tpu.memory_space<vmem>> -> memref<1x128x128xf32, #tpu.memory_space<vmem>>
      %dma_start3A_157 = tpu.memref_squeeze %dma_start3A_156 : memref<1x128x128xf32, #tpu.memory_space<vmem>> -> memref<128x128xf32, #tpu.memory_space<vmem>>
      tpu.enqueue_dma source(%dma_start3A_157 : memref<128x128xf32, #tpu.memory_space<vmem>>) target(%dma_start3A_153 : memref<128x128xf32, #tpu.memory_space<hbm>>) target_semaphore(%run_scoped3A_145 : memref<!tpu.dma_semaphore, #tpu.memory_space<semaphore_mem>>)
      %dma_wait3A_158 = arith.constant 0 : i32
      %dma_wait3A_159 = arith.constant 0 : i32
      %dma_wait3A_160 = tpu.memref_slice %arg6[%run_scoped3A_124, %dma_wait3A_158, %dma_wait3A_159] : memref<4x128x128xf32, #tpu.memory_space<vmem>> -> memref<1x128x128xf32, #tpu.memory_space<vmem>>
      %dma_wait3A_161 = tpu.memref_squeeze %dma_wait3A_160 : memref<1x128x128xf32, #tpu.memory_space<vmem>> -> memref<128x128xf32, #tpu.memory_space<vmem>>
      %dma_wait3A_162 = arith.constant 0 : i32
      %dma_wait3A_163 = tpu.memref_slice %arg4[%mul3A_123, %dma_wait3A_162] : memref<819200x128xf32, #tpu.memory_space<hbm>> -> memref<128x128xf32, #tpu.memory_space<hbm>>
      %dma_wait3A_164 = arith.constant 0 : i32
      %dma_wait3A_165 = tpu.memref_slice %arg4[%mul3A_123, %dma_wait3A_164] : memref<819200x128xf32, #tpu.memory_space<hbm>> -> memref<128x128xf32, #tpu.memory_space<hbm>>
      %dma_wait3A_166 = arith.constant 0 : i32
      %dma_wait3A_167 = arith.constant 0 : i32
      %dma_wait3A_168 = tpu.memref_slice %arg6[%run_scoped3A_124, %dma_wait3A_166, %dma_wait3A_167] : memref<4x128x128xf32, #tpu.memory_space<vmem>> -> memref<1x128x128xf32, #tpu.memory_space<vmem>>
      %dma_wait3A_169 = tpu.memref_squeeze %dma_wait3A_168 : memref<1x128x128xf32, #tpu.memory_space<vmem>> -> memref<128x128xf32, #tpu.memory_space<vmem>>
      tpu.wait_dma2 semaphore(%run_scoped3A_145 : memref<!tpu.dma_semaphore, #tpu.memory_space<semaphore_mem>>) src(%dma_wait3A_169 : memref<128x128xf32, #tpu.memory_space<vmem>>) dst(%dma_wait3A_165 : memref<128x128xf32, #tpu.memory_space<hbm>>)
      tpu.yield
    }) : () -> ()
    %dma_wait3A_125 = arith.constant 199 : i32
    %dma_wait3A_126 = arith.constant 3 : i32
    %dma_wait3A_127 = arith.constant 0 : i32
    %dma_wait3A_128 = arith.constant 0 : i32
    %dma_wait3A_129 = tpu.memref_slice %arg6[%dma_wait3A_126, %dma_wait3A_127, %dma_wait3A_128] : memref<4x128x128xf32, #tpu.memory_space<vmem>> -> memref<1x128x128xf32, #tpu.memory_space<vmem>>
    %dma_wait3A_130 = tpu.memref_squeeze %dma_wait3A_129 : memref<1x128x128xf32, #tpu.memory_space<vmem>> -> memref<128x128xf32, #tpu.memory_space<vmem>>
    %dma_wait3A_131 = arith.constant 0 : i32
    %dma_wait3A_132 = arith.constant 0 : i32
    %dma_wait3A_133 = tpu.memref_slice %dma_wait3A_130[%dma_wait3A_131, %dma_wait3A_132] : memref<128x128xf32, #tpu.memory_space<vmem>> -> memref<128x128xf32, #tpu.memory_space<vmem>>
    %dma_wait3A_134 = arith.constant 0 : i32
    %dma_wait3A_135 = tpu.memref_slice %arg5[%dma_wait3A_125, %dma_wait3A_134] : memref<200x128xi32, #tpu.memory_space<vmem>> -> memref<1x128xi32, #tpu.memory_space<vmem>>
    %dma_wait3A_136 = tpu.memref_squeeze %dma_wait3A_135 : memref<1x128xi32, #tpu.memory_space<vmem>> -> memref<128xi32, #tpu.memory_space<vmem>>
    %dma_wait3A_137 = arith.constant 0 : i32
    %dma_wait3A_138 = arith.constant 0 : i32
    %dma_wait3A_139 = tpu.memref_slice %arg3[%dma_wait3A_137, %dma_wait3A_138] : memref<1000000x128xf32, #tpu.memory_space<hbm>> -> memref<1000000x128xf32, #tpu.memory_space<hbm>>
    tpu.wait_indirect_dma semaphore(%arg10 : memref<!tpu.dma_semaphore, #tpu.memory_space<semaphore_mem>>) src(%dma_wait3A_139 : memref<1000000x128xf32, #tpu.memory_space<hbm>>) dst(%dma_wait3A_133 : memref<128x128xf32, #tpu.memory_space<vmem>>)
    %add3A_140 = arith.constant 199 : i32
    %add3A_141 = arith.addi %mul3A_2, %add3A_140 : i32
    %mul3A_142 = arith.constant 128 : i32
    %mul3A_143 = arith.muli %add3A_141, %mul3A_142 : i32
    %run_scoped3A_144 = arith.constant 3 : i32
    "tpu.region"() ({
      %run_scoped3A_145 = tpu.sem_alloc : memref<!tpu.dma_semaphore, #tpu.memory_space<semaphore_mem>>
      %dma_start3A_146 = arith.constant 0 : i32
      %dma_start3A_147 = arith.constant 0 : i32
      %dma_start3A_148 = tpu.memref_slice %arg6[%run_scoped3A_144, %dma_start3A_146, %dma_start3A_147] : memref<4x128x128xf32, #tpu.memory_space<vmem>> -> memref<1x128x128xf32, #tpu.memory_space<vmem>>
      %dma_start3A_149 = tpu.memref_squeeze %dma_start3A_148 : memref<1x128x128xf32, #tpu.memory_space<vmem>> -> memref<128x128xf32, #tpu.memory_space<vmem>>
      %dma_start3A_150 = arith.constant 0 : i32
      %dma_start3A_151 = tpu.memref_slice %arg4[%mul3A_143, %dma_start3A_150] : memref<819200x128xf32, #tpu.memory_space<hbm>> -> memref<128x128xf32, #tpu.memory_space<hbm>>
      %dma_start3A_152 = arith.constant 0 : i32
      %dma_start3A_153 = tpu.memref_slice %arg4[%mul3A_143, %dma_start3A_152] : memref<819200x128xf32, #tpu.memory_space<hbm>> -> memref<128x128xf32, #tpu.memory_space<hbm>>
      %dma_start3A_154 = arith.constant 0 : i32
      %dma_start3A_155 = arith.constant 0 : i32
      %dma_start3A_156 = tpu.memref_slice %arg6[%run_scoped3A_144, %dma_start3A_154, %dma_start3A_155] : memref<4x128x128xf32, #tpu.memory_space<vmem>> -> memref<1x128x128xf32, #tpu.memory_space<vmem>>
      %dma_start3A_157 = tpu.memref_squeeze %dma_start3A_156 : memref<1x128x128xf32, #tpu.memory_space<vmem>> -> memref<128x128xf32, #tpu.memory_space<vmem>>
      tpu.enqueue_dma source(%dma_start3A_157 : memref<128x128xf32, #tpu.memory_space<vmem>>) target(%dma_start3A_153 : memref<128x128xf32, #tpu.memory_space<hbm>>) target_semaphore(%run_scoped3A_145 : memref<!tpu.dma_semaphore, #tpu.memory_space<semaphore_mem>>)
      %dma_wait3A_158 = arith.constant 0 : i32
      %dma_wait3A_159 = arith.constant 0 : i32
      %dma_wait3A_160 = tpu.memref_slice %arg6[%run_scoped3A_144, %dma_wait3A_158, %dma_wait3A_159] : memref<4x128x128xf32, #tpu.memory_space<vmem>> -> memref<1x128x128xf32, #tpu.memory_space<vmem>>
      %dma_wait3A_161 = tpu.memref_squeeze %dma_wait3A_160 : memref<1x128x128xf32, #tpu.memory_space<vmem>> -> memref<128x128xf32, #tpu.memory_space<vmem>>
      %dma_wait3A_162 = arith.constant 0 : i32
      %dma_wait3A_163 = tpu.memref_slice %arg4[%mul3A_143, %dma_wait3A_162] : memref<819200x128xf32, #tpu.memory_space<hbm>> -> memref<128x128xf32, #tpu.memory_space<hbm>>
      %dma_wait3A_164 = arith.constant 0 : i32
      %dma_wait3A_165 = tpu.memref_slice %arg4[%mul3A_143, %dma_wait3A_164] : memref<819200x128xf32, #tpu.memory_space<hbm>> -> memref<128x128xf32, #tpu.memory_space<hbm>>
      %dma_wait3A_166 = arith.constant 0 : i32
      %dma_wait3A_167 = arith.constant 0 : i32
      %dma_wait3A_168 = tpu.memref_slice %arg6[%run_scoped3A_144, %dma_wait3A_166, %dma_wait3A_167] : memref<4x128x128xf32, #tpu.memory_space<vmem>> -> memref<1x128x128xf32, #tpu.memory_space<vmem>>
      %dma_wait3A_169 = tpu.memref_squeeze %dma_wait3A_168 : memref<1x128x128xf32, #tpu.memory_space<vmem>> -> memref<128x128xf32, #tpu.memory_space<vmem>>
      tpu.wait_dma2 semaphore(%run_scoped3A_145 : memref<!tpu.dma_semaphore, #tpu.memory_space<semaphore_mem>>) src(%dma_wait3A_169 : memref<128x128xf32, #tpu.memory_space<vmem>>) dst(%dma_wait3A_165 : memref<128x128xf32, #tpu.memory_space<hbm>>)
      tpu.yield
    }) : () -> ()
    return
  }
}

</mosaic_0001>

<sc_bundles>
// kernel: _sc_gather.3.cloned.1.call-start
scs
__scs_entry_jumppad:
0x0: {  	(pc) =	sbr.rel $0x88, $3  }
0x1: {  	(tag) =	ssettag $0x0;
	lr =	simm.s32 $0x1  }
0x2: {  	[smem:$0x3F9F] =	sst lr;
	_ =	strace $0xD0000000  }
0x3: {  	_ = 	snop  }
0x4: {  	_ = 	snop  }
0x5: {  	_ = 	snop  }
0x6: {  	_ = 	snop  }
0x7: {  	_ = 	snop  }
__scs_overlays_trampoline_lowered:
0x8: {  	[smem:$0x3FAE] =	sst s0  }
0x9: {  	[smem:$0x3FAF] =	sst s1  }
0xa: {  	[smem:$0x3FB0] =	sst s2  }
0xb: {  	[smem:$0x3FB1] =	sst s3  }
0xc: {  	[smem:$0x3FB2] =	sst s4  }
0xd: {  	[smem:$0x3FB3] =	sst s5  }
0xe: {  	[smem:$0x3FB4] =	sst s6  }
0xf: {  	[smem:$0x3FB5] =	sst s7  }
0x10: {  	[smem:$0x3FB6] =	sst s8  }
0x11: {  	[smem:$0x3FB7] =	sst s9;
	s0 =	simm.s32 @!p0 $0x0  }
0x12: {  	s1 =	sld [smem:$0x3F9D];
	s0 =	simm.s32 @p0 $0x1  }
0x13: {  	[smem:$0x3FB8] =	sst s0;
	s0 =	simm.s32 @!p1 $0x0  }
0x14: {  	s2 =	sld [smem:$0x3F9C];
	s0 =	simm.s32 @p1 $0x1  }
0x15: {  	[smem:$0x3FB9] =	sst s0;
	s0 =	simm.s32 @!p2 $0x0  }
0x16: {  	s3 =	sld [smem:$0x3FDB];
	s0 =	simm.s32 @p2 $0x1  }
0x17: {  	s4 =	simm.s32 $0x1BF5;
	[smem:$0x3FBB] =	sst s0  }
0x18: {  	s0 =	sld [smem:$0x3F9E];
	_ =	swait.ge [sflag:s4], $0x0  }
0x19: {  	s7 =	sld [smem:$0x3F9F]  }
0x1a: {  	s8 =	sadd.s32 $0xFFFFE003, lr  }
0x1b: {  	s9 =	sadd.s32 $0xFFFFFEF7, lr;
	s5 =	simm.s32 $0xFFFFFFFF;
	p2 =	slt.u32 s8, $0xFFFFF086  }
0x1c: {  	p1 =	slt.u32 s9, $0xF7A;
	s5 =	simm.s32 @!p2 $0x0  }
0x1d: {  	s5 =	simm.s32 @p1 $0x1;
	p0 =	seq.s32 s7, s2  }
0x1e: {  	s7 =	smul.u32 @!p0 $0xF7A, s2;
	p2 =	seq.s32 @!p0 s5, $0x0  }
0x1f: {  	s9 =	smul.u32 $0xF7A, s1;
	s8 =	simm.s32 @!p0 $0x1BF5;
	p2 =	por !p2, p0  }
0x20: {  	[sflag:s8] =	ssyncset.s32 @!p0 $0xFFFFF086;
	s6 =	sadd.s32 @!p0 s3, s7;
	s7 =	simm.s32 @!p0 $0x108  }
0x21: {  	s3 =	sadd.s32 s3, s9;
	s6 =	sadd.s32 @!p0 $0x88, s6;
	s7 =	simm.s32 @p2 $0x1082  }
0x22: {  	[simem:s7], [sflag:s8] =	dma.local @!p0 [hbm:s6], $0xF7A  }
0x23: {  	s9 =	sor.u32 $0xD0000000, s2;
	s6 =	simm.s32 $0x108;
	_ =	swait.ge @!p0 [sflag:s8], $0x0  }
0x24: {  	s3 =	sadd.s32 $0x88, s3;
	s6 =	simm.s32 @!p1 $0x1082;
	[sflag:s4] =	ssyncset.s32 $0xFFFFF086  }
0x25: {  	[simem:s6], [sflag:s4] =	dma.local [hbm:s3], $0xF7A  }
0x26: {  	[smem:$0x3F9F] =	sst s1;
	(tag) =	ssettag s2;
	_ =	strace s9  }
0x27: {  	s1 =	sld [smem:$0x3FAF]  }
0x28: {  	s2 =	sld [smem:$0x3FB0]  }
0x29: {  	s4 =	sld [smem:$0x3FB2]  }
0x2a: {  	p0 =	seq.s32 s5, $0x0;
	s5 =	sld [smem:$0x3FB3]  }
0x2b: {  	s6 =	sld [smem:$0x3FB4]  }
0x2c: {  	s7 =	sld [smem:$0x3FB5]  }
0x2d: {  	s3 =	simm.s32 $0x108;
	s8 =	sld [smem:$0x3FB6]  }
0x2e: {  	s3 =	simm.s32 @!p0 $0x1082;
	s9 =	sld [smem:$0x3FB7]  }
0x2f: {  	lr =	sadd.s32 s0, s3;
	s0 =	sld [smem:$0x3FAE]  }
0x30: {  	s3 =	sld [smem:$0x3FB1]  }
0x31: {  	[smem:$0x3FBA] =	sst s10  }
0x32: {  	s10 =	sld [smem:$0x3FB8];
	_ =	sdelay $0x3  }
0x33: {  	p0 =	seq.s32 s10, $0x1;
	s10 =	sld [smem:$0x3FBA];
	_ =	sdelay $0x3  }
0x34: {  	[smem:$0x3FBA] =	sst s10  }
0x35: {  	s10 =	sld [smem:$0x3FB9];
	_ =	sdelay $0x3  }
0x36: {  	p1 =	seq.s32 s10, $0x1;
	s10 =	sld [smem:$0x3FBA];
	_ =	sdelay $0x3  }
0x37: {  	[smem:$0x3FBA] =	sst s10  }
0x38: {  	s10 =	sld [smem:$0x3FBB]  }
0x39: {  	_ = 	snop;
	(pc) =	sbr.ind lr, $3  }
0x3a: {  	_ = 	snop  }
0x3b: {  	_ = 	snop  }
0x3c: {  	p2 =	seq.s32 s10, $0x1;
	s10 =	sld [smem:$0x3FBA]  }
0x3d: {  	_ =	shalt  }
0x3e: {  	_ =	shalt  }
0x3f: {  	_ =	shalt  }
0x40: {  	_ =	shalt  }
0x41: {  	_ =	shalt  }
0x42: {  	_ =	shalt  }
0x43: {  	_ =	shalt  }
0x44: {  	_ =	shalt  }
0x45: {  	_ =	shalt  }
0x46: {  	_ =	shalt  }
0x47: {  	_ =	shalt  }
0x48: {  	_ =	shalt  }
0x49: {  	_ =	shalt  }
0x4a: {  	_ =	shalt  }
0x4b: {  	_ =	shalt  }
0x4c: {  	_ =	shalt  }
0x4d: {  	_ =	shalt  }
0x4e: {  	_ =	shalt  }
0x4f: {  	_ =	shalt  }
0x50: {  	_ =	shalt  }
0x51: {  	_ =	shalt  }
0x52: {  	_ =	shalt  }
0x53: {  	_ =	shalt  }
0x54: {  	_ =	shalt  }
0x55: {  	_ =	shalt  }
0x56: {  	_ =	shalt  }
0x57: {  	_ =	shalt  }
0x58: {  	_ =	shalt  }
0x59: {  	_ =	shalt  }
0x5a: {  	_ =	shalt  }
0x5b: {  	_ =	shalt  }
0x5c: {  	_ =	shalt  }
0x5d: {  	_ =	shalt  }
0x5e: {  	_ =	shalt  }
0x5f: {  	_ =	shalt  }
0x60: {  	_ =	shalt  }
0x61: {  	_ =	shalt  }
0x62: {  	_ =	shalt  }
0x63: {  	_ =	shalt  }
0x64: {  	_ =	shalt  }
0x65: {  	_ =	shalt  }
0x66: {  	_ =	shalt  }
0x67: {  	_ =	shalt  }
0x68: {  	_ =	shalt  }
0x69: {  	_ =	shalt  }
0x6a: {  	_ =	shalt  }
0x6b: {  	_ =	shalt  }
0x6c: {  	_ =	shalt  }
0x6d: {  	_ =	shalt  }
0x6e: {  	_ =	shalt  }
0x6f: {  	_ =	shalt  }
0x70: {  	_ =	shalt  }
0x71: {  	_ =	shalt  }
0x72: {  	_ =	shalt  }
0x73: {  	_ =	shalt  }
0x74: {  	_ =	shalt  }
0x75: {  	_ =	shalt  }
0x76: {  	_ =	shalt  }
0x77: {  	_ =	shalt  }
0x78: {  	_ =	shalt  }
0x79: {  	_ =	shalt  }
0x7a: {  	_ =	shalt  }
0x7b: {  	_ =	shalt  }
0x7c: {  	_ =	shalt  }
0x7d: {  	_ =	shalt  }
0x7e: {  	_ =	shalt  }
0x7f: {  	_ =	shalt  }
0x80: {  	_ =	shalt  }
0x81: {  	_ =	shalt  }
0x82: {  	_ =	shalt  }
0x83: {  	_ =	shalt  }
0x84: {  	_ =	shalt  }
0x85: {  	_ =	shalt  }
0x86: {  	_ =	shalt  }
0x87: {  	_ =	shalt  }
.Lfunc_end0:
.L_simem_size_0:
called_computation_lowered:
.L_overlay_start_0:
0x88: {  	s2 =	sld [smem:$0x3FD9]  }
0x89: {  	s3 =	sld [smem:$0x3FFE];
	_ =	sdelay $0x1  }
0x8a: {  	s1 =	srdreg.scid  }
0x8b: {  	s0 =	sand.u32 $0x1, s1  }
0x8c: {  	s18 =	sshll.u32 s0, $0xA;
	s2 =	sadd.s32 s3, s2  }
0x8d: {  	s2 =	sadd.s32 s2, s18  }
0x8e: {  	[smem:$0x3FC6] =	sst s2  }
0x8f: {  	_ = 	snop  }
0x90: {  	s2 =	sld [smem:$0x3FC9]  }
0x91: {  	s19 =	sld [smem:$0x3FC8]  }
0x92: {  	s4 =	sld [smem:$0x3FD0];
	(tm) =	ssettm $0x1  }
0x93: {  	s5 =	sld [smem:$0x3FFB];
	_ =	sdelay $0x3  }
0x94: {  	_ =	strace s5  }
0x95: {  	s5 =	sld [smem:$0x3FFC];
	_ =	sdelay $0x3  }
0x96: {  	_ =	strace s5  }
0x97: {  	s5 =	sld [smem:$0x3FFD];
	_ =	sdelay $0x3  }
0x98: {  	_ =	strace s5  }
0x99: {  	_ =	strace $0x8FFFFFFF  }
0x9a: {  	s20 =	sld [smem:$0x3FDB];
	_ =	sdelay $0x1  }
0x9b: {  	s6 =	simm.s32 $_scs_section_size  }
0x9c: {  	s7 =	simm.s32 $_size__tile_overlayer_lowered;
	s8 =	simm.s32 $_tile_overlayer_lowered  }
0x9d: {  	s23 =	simm.s32 $0x1BFF;
	s22 =	sshll.u32 s8, $0x1;
	s5 =	sadd.s32 s6, s20  }
0x9e: {  	s9 =	simm.s32 $0x0;
	s21 =	sshll.u32 s7, $0x1;
	s7 =	sadd.s32 s22, s5  }
0x9f: {  	[timem:s9], [sflag:s23] =	dma.local [hbm:s7], s21  }
0xa0: {  	_ =	swait.ge [sflag:s23], s21  }
0xa1: {  	s6 =	ssub.s32 $0x0, s21;
	[sflag:s23] =	ssyncset.done $0x0  }
0xa2: {  	[sflag:s23] =	ssyncadd.s32 s6;
	_ =	sdelay $0x1  }
0xa3: {  	s24 =	simm.s32 $0x1B8B  }
0xa4: {  	_ =	swait.ge [sflag:s24], $0x1  }
0xa5: {  	[sflag:s24] =	ssyncset.done $0x0  }
0xa6: {  	s25 =	simm.s32 $0x1B8E;
	[sflag:s24] =	ssyncadd.s32 $0xFFFFFFFF  }
0xa7: {  	s26 =	simm.s32 $execute0_lowered;
	[smem:$0x3FD2] =	sst s25  }
0xa8: {  	s6 =	sshll.u32 s26, $0x1;
	_ =	strace $0x80000046;
	[dreg:$0x1] =	wrdreg $0xFFFFFFFF  }
0xa9: {  	s28 =	simm.s32 $_size_execute0_lowered;
	s5 =	sadd.s32 s5, s6;
	[dreg:$0x0] =	wrdreg $0x0  }
0xaa: {  	s6 =	sshll.u32 s28, $0x1;
	[dreg:$0x2] =	wrdreg s5  }
0xab: {  	[dreg:$0x3] =	wrdreg s6  }
0xac: {  	[dreg:$0x4] =	wrdreg $0xC0  }
0xad: {  	_ =	task [dreg:s9], $0x5FFFF  }
0xae: {  	[dreg:$0x1] =	wrdreg $0xFFFFFFFF  }
0xaf: {  	[dreg:$0x0] =	wrdreg $0x60  }
0xb0: {  	[dreg:$0x2] =	wrdreg s2  }
0xb1: {  	[dreg:$0x3] =	wrdreg s19  }
0xb2: {  	[dreg:$0x4] =	wrdreg s4  }
0xb3: {  	[dreg:$0x5] =	wrdreg $0x9  }
0xb4: {  	_ =	task.clear_ibuf [dreg:s9], $0x6FFFF;
	_ =	strace $0x90000046  }
0xb5: {  	s29 =	simm.s32 $0x9;
	_ =	strace $0x80000048  }
0xb6: {  	_ =	swait.ge [sflag:s29], $0x1  }
0xb7: {  	[sflag:s29] =	ssyncadd.s32 $0xFFFFFFFF  }
0xb8: {  	_ =	strace $0x90000048  }
0xb9: {  	_ =	sfence  }
0xba: {  	s30 =	sld [smem:$0x0];
	_ =	sdelay $0x2  }
0xbb: {  	s31 =	sshll.u32 s1, $0xD;
	s1 =	sshrl.u32 s1, $0x2  }
0xbc: {  	s3 =	sand.u32 $0x4000, s31;
	s1 =	sadd.s32 s1, s30  }
0xbd: {  	s0 =	sor.u32 s3, s0;
	s1 =	sshll.u32 s1, $0x11  }
0xbe: {  	s0 =	sor.u32 s1, s0  }
0xbf: {  	s0 =	sadd.s32 $0x8F2B, s0  }
0xc0: {  	[sflag:s0] =	ssyncadd.remote.s32 $0x1  }
0xc1: {  	_ =	sfence.sel $0xFFFF  }
0xc2: {  	[dreg:$0x0] =	wrdreg $0xFFFFFFFF;
	(pc) =	sbr.abs _section_cstart, $3  }
0xc3: {  	[dreg:$0x1] =	wrdreg $0xFFFFFFFF  }
0xc4: {  	_ =	task.clear_ibuf [dreg:s9], $0x2FFFF;
	_ =	strace $0x9FFFFFFF  }
0xc5: {  	(tm) =	ssettm $0x7FFFFFFF  }
tec
execute0_lowered:
.L_overlay_start_1:
0x0: {  	(tag) =	ssettag $0x1  }
0x1: {  	s4 =	rddreg [dreg:$0x0]  }
0x2: {  	s1 =	srdreg.scid;
	s2 =	rddreg [dreg:$0x1]  }
0x3: {  	s0 =	stileid.u32;
	s11 =	rddreg [dreg:$0x2];
	s3 =	simm.s32 $0x0  }
0x4: {  	s15 =	simm.s32 $0x6400;
	s16 =	simm.s32 $0xA400;
	s17 =	simm.s32 $0x100  }
0x5: {  	s18 =	simm.s32 $0xE400;
	s19 =	simm.s32 $0x180;
	s20 =	simm.s32 $0x12400  }
0x6: {  	s21 =	simm.s32 $0x1;
	s22 =	simm.s32 $0x2;
	s8 =	smul.u32 $0x190, s0  }
0x7: {  	s23 =	simm.s32 $0x3;
	s9 =	sand.u32 $0x1, s1;
	s14 =	smul.u32 $0xC8000, s0  }
0x8: {  	s24 =	simm.s32 $0x4;
	s30 =	sshll.u32 s0, $0x1;
	s12 =	smul.u32 $0xC8, s9  }
0x9: {  	s25 =	simm.s32 $0x0;
	s5 =	sor.u32 s9, s30;
	s31 =	smul.u32 $0x64000, s9  }
0xa: {  	[smem:$0x7FF] =	sst s3;
	s7 =	ssub.s32 $0x2, s9;
	s6 =	smul.u32 $0xC80, s5  }
0xb: {  	_ =	strace $0x80000047;
	s5 =	smul.u32 $0x320000, s5;
	s10 =	sshrl.u32 s7, $0x1  }
0xc: {  	s14 =	sadd.s32 s14, s11;
	s10 =	ssub.s32 s7, s10;
	s8 =	sadd.s32 s12, s8  }
0xd: {  	s5 =	sshrl.u32 s5, $0x3;
	s4 =	sadd.s32 s4, s6;
	s12 =	sshll.u32 s8, $0xB  }
0xe: {  	s9 =	smax.u32 s10, $0x1;
	s13 =	sadd.s32 s11, s5;
	s12 =	sadd.s32 s12, s11  }
0xf: {  	s5 =	sadd.s32 $0x62000, s13;
	s6 =	sadd.s32 $0x62800, s13;
	s7 =	sadd.s32 $0x63000, s13  }
0x10: {  	s8 =	sadd.s32 $0x63800, s13;
	s10 =	sadd.s32 $0x1800, s12;
	s11 =	sadd.s32 $0x1000, s12  }
0x11: {  	s12 =	sadd.s32 s31, s14;
	s13 =	simm.s32 $0x5;
	s14 =	simm.s32 $0x80  }
.LBB2_1:
0x12: {  	[tilespmem:s3], [sflag:$0x5] =	stream.linear.gather [hbm4b:s4+s3], $0x6400, $0x38;
	[tilespmem:$0x16400] =	vst v63  }
0x13: {  	_ =	swait.ge [sflag:s13], $0x6400  }
0x14: {  	[sflag:s13] =	ssyncset.done $0x0  }
0x15: {  	[sflag:s13] =	ssyncadd.s32 $0xFFFF9C00  }
0x16: {  	[tilespmem:s15], [sflag:$0x1] =	stream.indirect.gather [hbm4b:s2+s14], $0x80, s3, s14, $0xb8;
	[tilespmem:$0x16400] =	vst v63  }
0x17: {  	_ = 	snop  }
0x18: {  	[tilespmem:s16], [sflag:$0x2] =	stream.indirect.gather [hbm4b:s2+s14], $0x80, s14, s14, $0xb8;
	[tilespmem:$0x16400] =	vst v63  }
0x19: {  	_ = 	snop  }
0x1a: {  	[tilespmem:s18], [sflag:$0x3] =	stream.indirect.gather [hbm4b:s2+s14], $0x80, s17, s14, $0xb8;
	[tilespmem:$0x16400] =	vst v63  }
0x1b: {  	_ = 	snop  }
0x1c: {  	[tilespmem:s20], [sflag:$0x4] =	stream.indirect.gather [hbm4b:s2+s14], $0x80, s19, s14, $0xb8;
	[tilespmem:$0x16400] =	vst v63  }
0x1d: {  	_ =	swait.ge [sflag:s21], $0x4000  }
0x1e: {  	[sflag:s21] =	ssyncset.done $0x0  }
0x1f: {  	[sflag:s21] =	ssyncadd.s32 $0xFFFFC000  }
0x20: {  	[hbm4b:s12+s3] =	stream.linear.scatter [tilespmem:s15], [sflag:$0x5], $0x4000, $0x38;
	[tilespmem:$0x16400] =	vst v63  }
0x21: {  	_ =	swait.ge [sflag:s13], $0x4000  }
0x22: {  	[sflag:s13] =	ssyncset.done $0x0  }
0x23: {  	s26 =	simm.s32 $0x200;
	[sflag:s13] =	ssyncadd.s32 $0xFFFFC000  }
0x24: {  	[tilespmem:s15], [sflag:$0x1] =	stream.indirect.gather [hbm4b:s2+s14], $0x80, s26, s14, $0xb8;
	[tilespmem:$0x16400] =	vst v63  }
0x25: {  	_ =	swait.ge [sflag:s22], $0x4000  }
0x26: {  	[sflag:s22] =	ssyncset.done $0x0  }
0x27: {  	s1 =	sadd.s32 $0xFFFFF000, s10;
	[sflag:s22] =	ssyncadd.s32 $0xFFFFC000  }
0x28: {  	[hbm4b:s1+s3] =	stream.linear.scatter [tilespmem:s16], [sflag:$0x5], $0x4000, $0x38;
	[tilespmem:$0x16400] =	vst v63  }
0x29: {  	_ =	swait.ge [sflag:s13], $0x4000  }
0x2a: {  	[sflag:s13] =	ssyncset.done $0x0  }
0x2b: {  	s1 =	simm.s32 $0x280;
	[sflag:s13] =	ssyncadd.s32 $0xFFFFC000  }
0x2c: {  	[tilespmem:s16], [sflag:$0x2] =	stream.indirect.gather [hbm4b:s2+s14], $0x80, s1, s14, $0xb8;
	[tilespmem:$0x16400] =	vst v63  }
0x2d: {  	_ =	swait.ge [sflag:s23], $0x4000  }
0x2e: {  	[sflag:s23] =	ssyncset.done $0x0  }
0x2f: {  	[sflag:s23] =	ssyncadd.s32 $0xFFFFC000  }
0x30: {  	[hbm4b:s11+s3] =	stream.linear.scatter [tilespmem:s18], [sflag:$0x5], $0x4000, $0x38;
	[tilespmem:$0x16400] =	vst v63  }
0x31: {  	_ =	swait.ge [sflag:s13], $0x4000  }
0x32: {  	[sflag:s13] =	ssyncset.done $0x0  }
0x33: {  	s1 =	simm.s32 $0x300;
	[sflag:s13] =	ssyncadd.s32 $0xFFFFC000  }
0x34: {  	[tilespmem:s18], [sflag:$0x3] =	stream.indirect.gather [hbm4b:s2+s14], $0x80, s1, s14, $0xb8;
	[tilespmem:$0x16400] =	vst v63  }
0x35: {  	_ =	swait.ge [sflag:s24], $0x4000  }
0x36: {  	[sflag:s24] =	ssyncset.done $0x0  }
0x37: {  	[sflag:s24] =	ssyncadd.s32 $0xFFFFC000  }
0x38: {  	[hbm4b:s10+s3] =	stream.linear.scatter [tilespmem:s20], [sflag:$0x5], $0x4000, $0x38;
	[tilespmem:$0x16400] =	vst v63  }
0x39: {  	s28 =	sadd.s32 $0x2000, s11;
	_ =	swait.ge [sflag:s13], $0x4000  }
0x3a: {  	s29 =	sadd.s32 $0x2000, s12;
	s31 =	simm.s32 $0x380;
	[sflag:s13] =	ssyncset.done $0x0  }
0x3b: {  	s30 =	sadd.s32 $0x2000, s10;
	s26 =	simm.s32 $0x800;
	[sflag:s13] =	ssyncadd.s32 $0xFFFFC000  }
.LBB2_2:
0x3c: {  	[tilespmem:s20], [sflag:$0x4] =	stream.indirect.gather [hbm4b:s2+s14], $0x80, s31, s14, $0xb8;
	[tilespmem:$0x16400] =	vst v63  }
0x3d: {  	s31 =	smov.u32 s26  }
0x3e: {  	p0 =	sne.s32 s26, $0x18000;
	s26 =	sadd.s32 $0x800, s26;
	_ =	swait.ge [sflag:s21], $0x4000  }
0x3f: {  	[sflag:s21] =	ssyncset.done $0x0  }
0x40: {  	[sflag:s21] =	ssyncadd.s32 $0xFFFFC000  }
0x41: {  	[hbm4b:s29+s3] =	stream.linear.scatter [tilespmem:s15], [sflag:$0x5], $0x4000, $0x38;
	[tilespmem:$0x16400] =	vst v63  }
0x42: {  	_ =	swait.ge [sflag:s13], $0x4000  }
0x43: {  	s31 =	sshra.s32 s31, $0x2;
	[sflag:s13] =	ssyncset.done $0x0  }
0x44: {  	s1 =	sadd.s32 $0x200, s31;
	[sflag:s13] =	ssyncadd.s32 $0xFFFFC000  }
0x45: {  	[tilespmem:s15], [sflag:$0x1] =	stream.indirect.gather [hbm4b:s2+s14], $0x80, s1, s14, $0xb8;
	[tilespmem:$0x16400] =	vst v63  }
0x46: {  	_ =	swait.ge [sflag:s22], $0x4000  }
0x47: {  	[sflag:s22] =	ssyncset.done $0x0  }
0x48: {  	s1 =	sadd.s32 $0xFFFFF000, s30;
	[sflag:s22] =	ssyncadd.s32 $0xFFFFC000  }
0x49: {  	[hbm4b:s1+s3] =	stream.linear.scatter [tilespmem:s16], [sflag:$0x5], $0x4000, $0x38;
	[tilespmem:$0x16400] =	vst v63  }
0x4a: {  	_ =	swait.ge [sflag:s13], $0x4000  }
0x4b: {  	[sflag:s13] =	ssyncset.done $0x0  }
0x4c: {  	s1 =	sadd.s32 $0x280, s31;
	[sflag:s13] =	ssyncadd.s32 $0xFFFFC000  }
0x4d: {  	[tilespmem:s16], [sflag:$0x2] =	stream.indirect.gather [hbm4b:s2+s14], $0x80, s1, s14, $0xb8;
	[tilespmem:$0x16400] =	vst v63  }
0x4e: {  	_ =	swait.ge [sflag:s23], $0x4000  }
0x4f: {  	[sflag:s23] =	ssyncset.done $0x0  }
0x50: {  	[sflag:s23] =	ssyncadd.s32 $0xFFFFC000  }
0x51: {  	[hbm4b:s28+s3] =	stream.linear.scatter [tilespmem:s18], [sflag:$0x5], $0x4000, $0x38;
	[tilespmem:$0x16400] =	vst v63  }
0x52: {  	_ =	swait.ge [sflag:s13], $0x4000  }
0x53: {  	[sflag:s13] =	ssyncset.done $0x0  }
0x54: {  	s1 =	sadd.s32 $0x300, s31;
	[sflag:s13] =	ssyncadd.s32 $0xFFFFC000  }
0x55: {  	[tilespmem:s18], [sflag:$0x3] =	stream.indirect.gather [hbm4b:s2+s14], $0x80, s1, s14, $0xb8;
	[tilespmem:$0x16400] =	vst v63  }
0x56: {  	_ =	swait.ge [sflag:s24], $0x4000  }
0x57: {  	[sflag:s24] =	ssyncset.done $0x0  }
.Ltmp0:
0x58: {  	[sflag:s24] =	ssyncadd.s32 $0xFFFFC000;
	(pc) =	sbr.rel @p0 .LBB2_2-.Ltmp0, $4  }
0x59: {  	[hbm4b:s30+s3] =	stream.linear.scatter [tilespmem:s20], [sflag:$0x5], $0x4000, $0x38;
	[tilespmem:$0x16400] =	vst v63  }
0x5a: {  	_ =	swait.ge [sflag:s13], $0x4000  }
0x5b: {  	s29 =	sadd.s32 $0x2000, s29;
	s28 =	sadd.s32 $0x2000, s28;
	[sflag:s13] =	ssyncset.done $0x0  }
0x5c: {  	s31 =	sadd.s32 $0x380, s31;
	s30 =	sadd.s32 $0x2000, s30;
	[sflag:s13] =	ssyncadd.s32 $0xFFFFC000  }
0x5d: {  	[tilespmem:s20], [sflag:$0x4] =	stream.indirect.gather [hbm4b:s2+s14], $0x80, s31, s14, $0xb8;
	[tilespmem:$0x16400] =	vst v63  }
0x5e: {  	_ =	swait.ge [sflag:s21], $0x4000  }
0x5f: {  	[sflag:s21] =	ssyncset.done $0x0  }
0x60: {  	[sflag:s21] =	ssyncadd.s32 $0xFFFFC000  }
0x61: {  	[hbm4b:s5+s3] =	stream.linear.scatter [tilespmem:s15], [sflag:$0x5], $0x4000, $0x38;
	[tilespmem:$0x16400] =	vst v63  }
0x62: {  	_ =	swait.ge [sflag:s13], $0x4000  }
0x63: {  	[sflag:s13] =	ssyncset.done $0x0  }
0x64: {  	[sflag:s13] =	ssyncadd.s32 $0xFFFFC000  }
0x65: {  	_ =	swait.ge [sflag:s22], $0x4000  }
0x66: {  	[sflag:s22] =	ssyncset.done $0x0  }
0x67: {  	[sflag:s22] =	ssyncadd.s32 $0xFFFFC000  }
0x68: {  	[hbm4b:s6+s3] =	stream.linear.scatter [tilespmem:s16], [sflag:$0x5], $0x4000, $0x38;
	[tilespmem:$0x16400] =	vst v63  }
0x69: {  	_ =	swait.ge [sflag:s13], $0x4000  }
0x6a: {  	[sflag:s13] =	ssyncset.done $0x0  }
0x6b: {  	[sflag:s13] =	ssyncadd.s32 $0xFFFFC000  }
0x6c: {  	_ =	swait.ge [sflag:s23], $0x4000  }
0x6d: {  	[sflag:s23] =	ssyncset.done $0x0  }
0x6e: {  	[sflag:s23] =	ssyncadd.s32 $0xFFFFC000  }
0x6f: {  	[hbm4b:s7+s3] =	stream.linear.scatter [tilespmem:s18], [sflag:$0x5], $0x4000, $0x38;
	[tilespmem:$0x16400] =	vst v63  }
0x70: {  	_ =	swait.ge [sflag:s13], $0x4000  }
0x71: {  	[sflag:s13] =	ssyncset.done $0x0  }
0x72: {  	[sflag:s13] =	ssyncadd.s32 $0xFFFFC000  }
0x73: {  	s25 =	sadd.s32 $0x1, s25;
	_ =	swait.ge [sflag:s24], $0x4000  }
0x74: {  	p0 =	sne.s32 s25, s9;
	[sflag:s24] =	ssyncset.done $0x0  }
.Ltmp1:
0x75: {  	[sflag:s24] =	ssyncadd.s32 $0xFFFFC000;
	(pc) =	sbr.rel @p0 .LBB2_1-.Ltmp1, $4  }
0x76: {  	[hbm4b:s8+s3] =	stream.linear.scatter [tilespmem:s20], [sflag:$0x5], $0x4000, $0x38;
	[tilespmem:$0x16400] =	vst v63  }
0x77: {  	_ =	swait.ge [sflag:s13], $0x4000  }
0x78: {  	[sflag:s13] =	ssyncset.done $0x0  }
0x79: {  	[sflag:s13] =	ssyncadd.s32 $0xFFFFC000  }
0x7a: {  	_ =	sfence.sel $0x180000  }
0x7b: {  	[bflag:$0x0] =	sbarrier.arrive $0xFFFF  }
0x7c: {  	_ =	strace $0x90000047  }
0x7d: {  	[bflag:$0x2] =	sbarrier.arrive $0xFFFF  }
0x7e: {  	p0 =	sne.s32 s0, $0x0;
	s0 =	rddreg [dreg:$0x3]  }
0x7f: {  	s0 =	sadd.s32 @!p0 $0x100000, s0  }
0x80: {  	[sflag:s0] =	ssyncadd.tile.s32 @!p0 $0x1;
	_ =	shalt  }
.Lfunc_end2:
_tile_overlayer_lowered:
.L_overlay_start_2:
0x81: {  	(tag) =	ssettag $0x2  }
0x82: {  	s0 =	rddreg [dreg:$0x0];
	s2 =	stileid.u32  }
0x83: {  	s1 =	rddreg [dreg:$0x1];
	p0 =	sne.s32 s2, $0x0  }
0x84: {  	s3 =	rddreg [dreg:$0x2];
	[bflag:$0x3] =	sbarrier.arrive $0xFFFF;
	s2 =	simm.s32 @!p0 $0x1C05  }
0x85: {  	[timem:s3], [sflag:s2] =	dma.local @!p0 [hbm:s0], s1  }
0x86: {  	s0 =	simm.s32 @!p0 $0x5  }
0x87: {  	_ =	swait.ge @!p0 [sflag:s0], s1  }
0x88: {  	s1 =	ssub.s32 @!p0 $0x0, s1;
	[sflag:s0] =	ssyncset.done @!p0 $0x0  }
0x89: {  	[sflag:s0] =	ssyncadd.s32 @!p0 s1  }
0x8a: {  	[bflag:$0x3] =	sbarrier.arrive $0xFFFF  }
0x8b: {  	_ =	shalt  }

</sc_bundles>
